<compile_context>
chip_gen: v7x
topology: tpu7x:2x2x1
jax: 0.10.2.dev20260603
libtpu: 0.0.44.dev20260713+nightly
codegen_flags: <defaults>
</compile_context>

<pallas_src>
import functools

import jax
import jax.numpy as jnp
from jax import lax
from jax.experimental import pallas as pl
from jax.experimental.pallas import tpu as pltpu
from jax.experimental.pallas import tpu_sc as plsc

_D = 128
_L = 16
_NW = 32
_C = 80
_NBUF = 3


@functools.partial(jax.jit, static_argnums=(2,))
def _decode(z, eidx, n_edges):
    per_w = n_edges // _NW
    n_chunks = per_w // _C
    n_loop = (n_chunks - (_NBUF - 1)) // _NBUF
    n_tail = n_chunks - n_loop * _NBUF

    mesh = plsc.VectorSubcoreMesh(core_axis_name="c", subcore_axis_name="s")

    @functools.partial(
        pl.kernel,
        mesh=mesh,
        out_type=jax.ShapeDtypeStruct((n_edges,), jnp.float32),
        scratch_types=[
            pltpu.VMEM((per_w,), jnp.int32),
            pltpu.VMEM((per_w,), jnp.int32),
            pltpu.VMEM((_NBUF, _C, _D), jnp.bfloat16),
            pltpu.VMEM((_NBUF, _C, _D), jnp.bfloat16),
            pltpu.VMEM((per_w,), jnp.float32),
            pltpu.SemaphoreType.DMA((_NBUF,)),
            pltpu.SemaphoreType.DMA,
        ],
        compiler_params=pltpu.CompilerParams(
            needs_layout_passes=False, use_tc_tiling_on_sc=False),
    )
    def body(z_hbm, e_hbm, out_hbm,
             sidx_v, didx_v, srows_v, drows_v, out_v, sems, sem_i):
        wid = lax.axis_index("s") * 2 + lax.axis_index("c")
        base = wid * per_w
        lane = lax.iota(jnp.int32, _L)

        cp_s = pltpu.async_copy(
            e_hbm.at[0, pl.ds(base, per_w)], sidx_v, sem_i)
        cp_d = pltpu.async_copy(
            e_hbm.at[1, pl.ds(base, per_w)], didx_v, sem_i)
        cp_s.wait()
        cp_d.wait()

        def fire(c, b):
            pltpu.async_copy(
                z_hbm.at[sidx_v.at[pl.ds(c * _C, _C)]],
                srows_v.at[b], sems.at[b])
            pltpu.async_copy(
                z_hbm.at[didx_v.at[pl.ds(c * _C, _C)]],
                drows_v.at[b], sems.at[b])

        def drain(c, b):
            pltpu.make_async_copy(
                z_hbm.at[sidx_v.at[pl.ds(c * _C, _C)]],
                srows_v.at[b], sems.at[b]).wait()
            pltpu.make_async_copy(
                z_hbm.at[didx_v.at[pl.ds(c * _C, _C)]],
                drows_v.at[b], sems.at[b]).wait()

        def compute(c, b):
            sr = srows_v.at[b]
            dr = drows_v.at[b]

            def group_body(g, _):
                def edge_body(k, res):
                    for u in range(2):
                        e = g * _L + 2 * k + u
                        accb = jnp.zeros((2 * _L,), jnp.bfloat16)
                        for j in range(_D // (2 * _L)):
                            s = sr[e, pl.ds(j * 2 * _L, 2 * _L)]
                            d = dr[e, pl.ds(j * 2 * _L, 2 * _L)]
                            accb = accb + s * d
                        lo, hi = plsc.unpack(
                            accb, format=plsc.PackFormat.INTERLEAVED)
                        res = jnp.where(lane == 2 * k + u,
                                        jnp.sum(lo + hi), res)
                    return res

                res = lax.fori_loop(
                    0, _L // 2, edge_body, jnp.zeros((_L,), jnp.float32))
                out_v[pl.ds(c * _C + g * _L, _L)] = res
                return 0

            lax.fori_loop(0, _C // _L, group_body, 0)

        for b in range(_NBUF - 1):
            fire(b, b)

        def loop_body(i, _):
            for b in range(_NBUF):
                c = _NBUF * i + b
                drain(c, b)
                compute(c, b)
                fire(c + _NBUF - 1, (b + _NBUF - 1) % _NBUF)
            return 0

        lax.fori_loop(0, n_loop, loop_body, 0)
        for t in range(n_tail):
            c = n_loop * _NBUF + t
            b = c % _NBUF
            if t >= _NBUF - 1:
                fire(c, b)
            drain(c, b)
            compute(c, b)

        pltpu.sync_copy(out_v, out_hbm.at[pl.ds(base, per_w)])

    return body(z, eidx)


def kernel(z, edge_index):
    e32 = edge_index.astype(jnp.int32)
    return _decode(z.astype(jnp.bfloat16), e32, edge_index.shape[1])

# --- scband reference (transcript-rebuilt; emitter-appended) ---
"""Pipeline reference for scband-inner-product-decoder-66743791780268 (READ-ONLY COPY).

The authoritative reference and input builder live on the scoring server;
editing this copy changes nothing except your own understanding.
"""

import jax, jax.numpy as jnp
import numpy as np


def setup_inputs(seed: int = 0) -> dict:
    key = jax.random.key(seed)
    k1, k2 = jax.random.split(key)
    z = jax.random.normal(k1, (10000, 128), dtype=jnp.float32)
    edge_index = jax.random.randint(k2, (2, 320000), 0, 10000, dtype=jnp.int64)
    return {"z": z, "edge_index": edge_index}


def reference(z, edge_index):
    src = jnp.take(z, edge_index[0], axis=0)
    dst = jnp.take(z, edge_index[1], axis=0)
    return (src * dst).sum(axis=1)

if __name__ == "__main__":
    import jax
    _d = setup_inputs()
    print(jax.jit(kernel)(*tuple(_d.values())))

</pallas_src>

<mosaic_0001>
#map = affine_map<(d0, d1) -> (0, 0)>
#map1 = affine_map<(d0, d1) -> (0)>
module attributes {stable_mosaic.version = 14 : i64} {
  func.func @body(%arg0: i32, %arg1: i32, %arg2: memref<10000x128xbf16, #tpu.memory_space<hbm>>, %arg3: memref<2x320000xi32, #tpu.memory_space<hbm>>, %arg4: memref<320000xf32, #tpu.memory_space<hbm>>, %arg5: memref<10000xi32, #tpu.memory_space<vmem>>, %arg6: memref<10000xi32, #tpu.memory_space<vmem>>, %arg7: memref<3x80x128xbf16, #tpu.memory_space<vmem>>, %arg8: memref<3x80x128xbf16, #tpu.memory_space<vmem>>, %arg9: memref<10000xf32, #tpu.memory_space<vmem>>, %arg10: memref<3x!tpu.dma_semaphore, #tpu.memory_space<semaphore_mem>>, %arg11: memref<!tpu.dma_semaphore, #tpu.memory_space<semaphore_mem>>) attributes {dimension_semantics = [#tpu.dimension_semantics<core_parallel>, #tpu.dimension_semantics<subcore_parallel>], iteration_bounds = array<i64: 2, 16>, scalar_prefetch = 0 : i64, scratch_operands = 7 : i64, tpu.core_type = #tpu.core_type<sc_vector_subcore>, window_params = [{transform_indices = #map}, {transform_indices = #map}, {transform_indices = #map1}]} {
    %mul3A = arith.constant 2 : i32
    %mul3A_0 = arith.muli %arg1, %mul3A : i32
    %add3A = arith.addi %mul3A_0, %arg0 : i32
    %mul3A_1 = arith.constant 10000 : i32
    %mul3A_2 = arith.muli %add3A, %mul3A_1 : i32
    %iota3A = tpu.iota {dimensions = array<i32: 0>} : vector<16xi32>
    %dma_start3A = arith.constant 0 : i32
    %dma_start3A_3 = tpu.memref_slice %arg3[%dma_start3A, %mul3A_2] : memref<2x320000xi32, #tpu.memory_space<hbm>> -> memref<1x10000xi32, #tpu.memory_space<hbm>>
    %dma_start3A_4 = tpu.memref_squeeze %dma_start3A_3 : memref<1x10000xi32, #tpu.memory_space<hbm>> -> memref<10000xi32, #tpu.memory_space<hbm>>
    %dma_start3A_5 = tpu.memref_slice %arg3[%dma_start3A, %mul3A_2] : memref<2x320000xi32, #tpu.memory_space<hbm>> -> memref<1x10000xi32, #tpu.memory_space<hbm>>
    %dma_start3A_6 = tpu.memref_squeeze %dma_start3A_5 : memref<1x10000xi32, #tpu.memory_space<hbm>> -> memref<10000xi32, #tpu.memory_space<hbm>>
    tpu.enqueue_dma source(%dma_start3A_6 : memref<10000xi32, #tpu.memory_space<hbm>>) target(%arg5 : memref<10000xi32, #tpu.memory_space<vmem>>) target_semaphore(%arg11 : memref<!tpu.dma_semaphore, #tpu.memory_space<semaphore_mem>>)
    %dma_start3A_7 = arith.constant 1 : i32
    %dma_start3A_8 = tpu.memref_slice %arg3[%dma_start3A_7, %mul3A_2] : memref<2x320000xi32, #tpu.memory_space<hbm>> -> memref<1x10000xi32, #tpu.memory_space<hbm>>
    %dma_start3A_9 = tpu.memref_squeeze %dma_start3A_8 : memref<1x10000xi32, #tpu.memory_space<hbm>> -> memref<10000xi32, #tpu.memory_space<hbm>>
    %dma_start3A_10 = tpu.memref_slice %arg3[%dma_start3A_7, %mul3A_2] : memref<2x320000xi32, #tpu.memory_space<hbm>> -> memref<1x10000xi32, #tpu.memory_space<hbm>>
    %dma_start3A_11 = tpu.memref_squeeze %dma_start3A_10 : memref<1x10000xi32, #tpu.memory_space<hbm>> -> memref<10000xi32, #tpu.memory_space<hbm>>
    tpu.enqueue_dma source(%dma_start3A_11 : memref<10000xi32, #tpu.memory_space<hbm>>) target(%arg6 : memref<10000xi32, #tpu.memory_space<vmem>>) target_semaphore(%arg11 : memref<!tpu.dma_semaphore, #tpu.memory_space<semaphore_mem>>)
    %dma_wait3A = arith.constant 0 : i32
    %dma_wait3A_12 = tpu.memref_slice %arg3[%dma_wait3A, %mul3A_2] : memref<2x320000xi32, #tpu.memory_space<hbm>> -> memref<1x10000xi32, #tpu.memory_space<hbm>>
    %dma_wait3A_13 = tpu.memref_squeeze %dma_wait3A_12 : memref<1x10000xi32, #tpu.memory_space<hbm>> -> memref<10000xi32, #tpu.memory_space<hbm>>
    %dma_wait3A_14 = tpu.memref_slice %arg3[%dma_wait3A, %mul3A_2] : memref<2x320000xi32, #tpu.memory_space<hbm>> -> memref<1x10000xi32, #tpu.memory_space<hbm>>
    %dma_wait3A_15 = tpu.memref_squeeze %dma_wait3A_14 : memref<1x10000xi32, #tpu.memory_space<hbm>> -> memref<10000xi32, #tpu.memory_space<hbm>>
    tpu.wait_dma2 semaphore(%arg11 : memref<!tpu.dma_semaphore, #tpu.memory_space<semaphore_mem>>) src(%dma_wait3A_15 : memref<10000xi32, #tpu.memory_space<hbm>>) dst(%arg5 : memref<10000xi32, #tpu.memory_space<vmem>>)
    %dma_wait3A_16 = arith.constant 1 : i32
    %dma_wait3A_17 = tpu.memref_slice %arg3[%dma_wait3A_16, %mul3A_2] : memref<2x320000xi32, #tpu.memory_space<hbm>> -> memref<1x10000xi32, #tpu.memory_space<hbm>>
    %dma_wait3A_18 = tpu.memref_squeeze %dma_wait3A_17 : memref<1x10000xi32, #tpu.memory_space<hbm>> -> memref<10000xi32, #tpu.memory_space<hbm>>
    %dma_wait3A_19 = tpu.memref_slice %arg3[%dma_wait3A_16, %mul3A_2] : memref<2x320000xi32, #tpu.memory_space<hbm>> -> memref<1x10000xi32, #tpu.memory_space<hbm>>
    %dma_wait3A_20 = tpu.memref_squeeze %dma_wait3A_19 : memref<1x10000xi32, #tpu.memory_space<hbm>> -> memref<10000xi32, #tpu.memory_space<hbm>>
    tpu.wait_dma2 semaphore(%arg11 : memref<!tpu.dma_semaphore, #tpu.memory_space<semaphore_mem>>) src(%dma_wait3A_20 : memref<10000xi32, #tpu.memory_space<hbm>>) dst(%arg6 : memref<10000xi32, #tpu.memory_space<vmem>>)
    %dma_start3A_21 = arith.constant 0 : i32
    %dma_start3A_22 = arith.constant 0 : i32
    %dma_start3A_23 = arith.constant 0 : i32
    %dma_start3A_24 = arith.constant 0 : i32
    %dma_start3A_25 = tpu.memref_slice %arg7[%dma_start3A_21, %dma_start3A_23, %dma_start3A_24] : memref<3x80x128xbf16, #tpu.memory_space<vmem>> -> memref<1x80x128xbf16, #tpu.memory_space<vmem>>
    %dma_start3A_26 = tpu.memref_squeeze %dma_start3A_25 : memref<1x80x128xbf16, #tpu.memory_space<vmem>> -> memref<80x128xbf16, #tpu.memory_space<vmem>>
    %dma_start3A_27 = arith.constant 0 : i32
    %dma_start3A_28 = tpu.memref_slice %arg5[%dma_start3A_27] : memref<10000xi32, #tpu.memory_space<vmem>> -> memref<80xi32, #tpu.memory_space<vmem>>
    %dma_start3A_29 = arith.constant 0 : i32
    %dma_start3A_30 = arith.constant 0 : i32
    %dma_start3A_31 = tpu.memref_slice %arg2[%dma_start3A_29, %dma_start3A_30] : memref<10000x128xbf16, #tpu.memory_space<hbm>> -> memref<10000x128xbf16, #tpu.memory_space<hbm>>
    %dma_start3A_32 = tpu.memref_slice %arg10[%dma_start3A_22] : memref<3x!tpu.dma_semaphore, #tpu.memory_space<semaphore_mem>> -> memref<1x!tpu.dma_semaphore, #tpu.memory_space<semaphore_mem>>
    %dma_start3A_33 = tpu.memref_squeeze %dma_start3A_32 : memref<1x!tpu.dma_semaphore, #tpu.memory_space<semaphore_mem>> -> memref<!tpu.dma_semaphore, #tpu.memory_space<semaphore_mem>>
    tpu.enqueue_indirect_dma source(%dma_start3A_31 : memref<10000x128xbf16, #tpu.memory_space<hbm>>) target(%dma_start3A_26 : memref<80x128xbf16, #tpu.memory_space<vmem>>) offsets(%dma_start3A_28 : memref<80xi32, #tpu.memory_space<vmem>>) semaphore(%dma_start3A_33 : memref<!tpu.dma_semaphore, #tpu.memory_space<semaphore_mem>>)
    %dma_start3A_34 = arith.constant 0 : i32
    %dma_start3A_35 = arith.constant 0 : i32
    %dma_start3A_36 = arith.constant 0 : i32
    %dma_start3A_37 = arith.constant 0 : i32
    %dma_start3A_38 = tpu.memref_slice %arg8[%dma_start3A_34, %dma_start3A_36, %dma_start3A_37] : memref<3x80x128xbf16, #tpu.memory_space<vmem>> -> memref<1x80x128xbf16, #tpu.memory_space<vmem>>
    %dma_start3A_39 = tpu.memref_squeeze %dma_start3A_38 : memref<1x80x128xbf16, #tpu.memory_space<vmem>> -> memref<80x128xbf16, #tpu.memory_space<vmem>>
    %dma_start3A_40 = arith.constant 0 : i32
    %dma_start3A_41 = tpu.memref_slice %arg6[%dma_start3A_40] : memref<10000xi32, #tpu.memory_space<vmem>> -> memref<80xi32, #tpu.memory_space<vmem>>
    %dma_start3A_42 = arith.constant 0 : i32
    %dma_start3A_43 = arith.constant 0 : i32
    %dma_start3A_44 = tpu.memref_slice %arg2[%dma_start3A_42, %dma_start3A_43] : memref<10000x128xbf16, #tpu.memory_space<hbm>> -> memref<10000x128xbf16, #tpu.memory_space<hbm>>
    %dma_start3A_45 = tpu.memref_slice %arg10[%dma_start3A_35] : memref<3x!tpu.dma_semaphore, #tpu.memory_space<semaphore_mem>> -> memref<1x!tpu.dma_semaphore, #tpu.memory_space<semaphore_mem>>
    %dma_start3A_46 = tpu.memref_squeeze %dma_start3A_45 : memref<1x!tpu.dma_semaphore, #tpu.memory_space<semaphore_mem>> -> memref<!tpu.dma_semaphore, #tpu.memory_space<semaphore_mem>>
    tpu.enqueue_indirect_dma source(%dma_start3A_44 : memref<10000x128xbf16, #tpu.memory_space<hbm>>) target(%dma_start3A_39 : memref<80x128xbf16, #tpu.memory_space<vmem>>) offsets(%dma_start3A_41 : memref<80xi32, #tpu.memory_space<vmem>>) semaphore(%dma_start3A_46 : memref<!tpu.dma_semaphore, #tpu.memory_space<semaphore_mem>>)
    %dma_start3A_47 = arith.constant 1 : i32
    %dma_start3A_48 = arith.constant 1 : i32
    %dma_start3A_49 = arith.constant 0 : i32
    %dma_start3A_50 = arith.constant 0 : i32
    %dma_start3A_51 = tpu.memref_slice %arg7[%dma_start3A_47, %dma_start3A_49, %dma_start3A_50] : memref<3x80x128xbf16, #tpu.memory_space<vmem>> -> memref<1x80x128xbf16, #tpu.memory_space<vmem>>
    %dma_start3A_52 = tpu.memref_squeeze %dma_start3A_51 : memref<1x80x128xbf16, #tpu.memory_space<vmem>> -> memref<80x128xbf16, #tpu.memory_space<vmem>>
    %dma_start3A_53 = arith.constant 80 : i32
    %dma_start3A_54 = tpu.memref_slice %arg5[%dma_start3A_53] : memref<10000xi32, #tpu.memory_space<vmem>> -> memref<80xi32, #tpu.memory_space<vmem>>
    %dma_start3A_55 = arith.constant 0 : i32
    %dma_start3A_56 = arith.constant 0 : i32
    %dma_start3A_57 = tpu.memref_slice %arg2[%dma_start3A_55, %dma_start3A_56] : memref<10000x128xbf16, #tpu.memory_space<hbm>> -> memref<10000x128xbf16, #tpu.memory_space<hbm>>
    %dma_start3A_58 = tpu.memref_slice %arg10[%dma_start3A_48] : memref<3x!tpu.dma_semaphore, #tpu.memory_space<semaphore_mem>> -> memref<1x!tpu.dma_semaphore, #tpu.memory_space<semaphore_mem>>
    %dma_start3A_59 = tpu.memref_squeeze %dma_start3A_58 : memref<1x!tpu.dma_semaphore, #tpu.memory_space<semaphore_mem>> -> memref<!tpu.dma_semaphore, #tpu.memory_space<semaphore_mem>>
    tpu.enqueue_indirect_dma source(%dma_start3A_57 : memref<10000x128xbf16, #tpu.memory_space<hbm>>) target(%dma_start3A_52 : memref<80x128xbf16, #tpu.memory_space<vmem>>) offsets(%dma_start3A_54 : memref<80xi32, #tpu.memory_space<vmem>>) semaphore(%dma_start3A_59 : memref<!tpu.dma_semaphore, #tpu.memory_space<semaphore_mem>>)
    %dma_start3A_60 = arith.constant 1 : i32
    %dma_start3A_61 = arith.constant 1 : i32
    %dma_start3A_62 = arith.constant 0 : i32
    %dma_start3A_63 = arith.constant 0 : i32
    %dma_start3A_64 = tpu.memref_slice %arg8[%dma_start3A_60, %dma_start3A_62, %dma_start3A_63] : memref<3x80x128xbf16, #tpu.memory_space<vmem>> -> memref<1x80x128xbf16, #tpu.memory_space<vmem>>
    %dma_start3A_65 = tpu.memref_squeeze %dma_start3A_64 : memref<1x80x128xbf16, #tpu.memory_space<vmem>> -> memref<80x128xbf16, #tpu.memory_space<vmem>>
    %dma_start3A_66 = arith.constant 80 : i32
    %dma_start3A_67 = tpu.memref_slice %arg6[%dma_start3A_66] : memref<10000xi32, #tpu.memory_space<vmem>> -> memref<80xi32, #tpu.memory_space<vmem>>
    %dma_start3A_68 = arith.constant 0 : i32
    %dma_start3A_69 = arith.constant 0 : i32
    %dma_start3A_70 = tpu.memref_slice %arg2[%dma_start3A_68, %dma_start3A_69] : memref<10000x128xbf16, #tpu.memory_space<hbm>> -> memref<10000x128xbf16, #tpu.memory_space<hbm>>
    %dma_start3A_71 = tpu.memref_slice %arg10[%dma_start3A_61] : memref<3x!tpu.dma_semaphore, #tpu.memory_space<semaphore_mem>> -> memref<1x!tpu.dma_semaphore, #tpu.memory_space<semaphore_mem>>
    %dma_start3A_72 = tpu.memref_squeeze %dma_start3A_71 : memref<1x!tpu.dma_semaphore, #tpu.memory_space<semaphore_mem>> -> memref<!tpu.dma_semaphore, #tpu.memory_space<semaphore_mem>>
    tpu.enqueue_indirect_dma source(%dma_start3A_70 : memref<10000x128xbf16, #tpu.memory_space<hbm>>) target(%dma_start3A_65 : memref<80x128xbf16, #tpu.memory_space<vmem>>) offsets(%dma_start3A_67 : memref<80xi32, #tpu.memory_space<vmem>>) semaphore(%dma_start3A_72 : memref<!tpu.dma_semaphore, #tpu.memory_space<semaphore_mem>>)
    %scan3A = arith.constant 0 : i32
    %scan3A_73 = arith.constant 0 : i32
    %scan3A_74 = arith.constant 41 : i32
    %scan3A_75 = arith.addi %scan3A_73, %scan3A_74 : i32
    %scan3A_76 = arith.constant 1 : i32
    %scan3A_77 = scf.for %scan3A_149 = %scan3A_73 to %scan3A_75 step %scan3A_76 iter_args(%scan3A_150 = %scan3A) -> (i32)  : i32 {
      %mul3A_151 = arith.constant 3 : i32
      %mul3A_152 = arith.muli %mul3A_151, %scan3A_149 : i32
      %add3A_153 = arith.constant 0 : i32
      %add3A_154 = arith.addi %mul3A_152, %add3A_153 : i32
      %mul3A_155 = arith.constant 80 : i32
      %mul3A_156 = arith.muli %add3A_154, %mul3A_155 : i32
      %dma_wait3A_157 = arith.constant 0 : i32
      %dma_wait3A_158 = arith.constant 0 : i32
      %dma_wait3A_159 = arith.constant 0 : i32
      %dma_wait3A_160 = arith.constant 0 : i32
      %dma_wait3A_161 = tpu.memref_slice %arg7[%dma_wait3A_157, %dma_wait3A_159, %dma_wait3A_160] : memref<3x80x128xbf16, #tpu.memory_space<vmem>> -> memref<1x80x128xbf16, #tpu.memory_space<vmem>>
      %dma_wait3A_162 = tpu.memref_squeeze %dma_wait3A_161 : memref<1x80x128xbf16, #tpu.memory_space<vmem>> -> memref<80x128xbf16, #tpu.memory_space<vmem>>
      %dma_wait3A_163 = tpu.memref_slice %arg5[%mul3A_156] : memref<10000xi32, #tpu.memory_space<vmem>> -> memref<80xi32, #tpu.memory_space<vmem>>
      %dma_wait3A_164 = arith.constant 0 : i32
      %dma_wait3A_165 = arith.constant 0 : i32
      %dma_wait3A_166 = tpu.memref_slice %arg2[%dma_wait3A_164, %dma_wait3A_165] : memref<10000x128xbf16, #tpu.memory_space<hbm>> -> memref<10000x128xbf16, #tpu.memory_space<hbm>>
      %dma_wait3A_167 = tpu.memref_slice %arg10[%dma_wait3A_158] : memref<3x!tpu.dma_semaphore, #tpu.memory_space<semaphore_mem>> -> memref<1x!tpu.dma_semaphore, #tpu.memory_space<semaphore_mem>>
      %dma_wait3A_168 = tpu.memref_squeeze %dma_wait3A_167 : memref<1x!tpu.dma_semaphore, #tpu.memory_space<semaphore_mem>> -> memref<!tpu.dma_semaphore, #tpu.memory_space<semaphore_mem>>
      tpu.wait_indirect_dma semaphore(%dma_wait3A_168 : memref<!tpu.dma_semaphore, #tpu.memory_space<semaphore_mem>>) src(%dma_wait3A_166 : memref<10000x128xbf16, #tpu.memory_space<hbm>>) dst(%dma_wait3A_162 : memref<80x128xbf16, #tpu.memory_space<vmem>>)
      %mul3A_169 = arith.constant 80 : i32
      %mul3A_170 = arith.muli %add3A_154, %mul3A_169 : i32
      %dma_wait3A_171 = arith.constant 0 : i32
      %dma_wait3A_172 = arith.constant 0 : i32
      %dma_wait3A_173 = arith.constant 0 : i32
      %dma_wait3A_174 = arith.constant 0 : i32
      %dma_wait3A_175 = tpu.memref_slice %arg8[%dma_wait3A_171, %dma_wait3A_173, %dma_wait3A_174] : memref<3x80x128xbf16, #tpu.memory_space<vmem>> -> memref<1x80x128xbf16, #tpu.memory_space<vmem>>
      %dma_wait3A_176 = tpu.memref_squeeze %dma_wait3A_175 : memref<1x80x128xbf16, #tpu.memory_space<vmem>> -> memref<80x128xbf16, #tpu.memory_space<vmem>>
      %dma_wait3A_177 = tpu.memref_slice %arg6[%mul3A_170] : memref<10000xi32, #tpu.memory_space<vmem>> -> memref<80xi32, #tpu.memory_space<vmem>>
      %dma_wait3A_178 = arith.constant 0 : i32
      %dma_wait3A_179 = arith.constant 0 : i32
      %dma_wait3A_180 = tpu.memref_slice %arg2[%dma_wait3A_178, %dma_wait3A_179] : memref<10000x128xbf16, #tpu.memory_space<hbm>> -> memref<10000x128xbf16, #tpu.memory_space<hbm>>
      %dma_wait3A_181 = tpu.memref_slice %arg10[%dma_wait3A_172] : memref<3x!tpu.dma_semaphore, #tpu.memory_space<semaphore_mem>> -> memref<1x!tpu.dma_semaphore, #tpu.memory_space<semaphore_mem>>
      %dma_wait3A_182 = tpu.memref_squeeze %dma_wait3A_181 : memref<1x!tpu.dma_semaphore, #tpu.memory_space<semaphore_mem>> -> memref<!tpu.dma_semaphore, #tpu.memory_space<semaphore_mem>>
      tpu.wait_indirect_dma semaphore(%dma_wait3A_182 : memref<!tpu.dma_semaphore, #tpu.memory_space<semaphore_mem>>) src(%dma_wait3A_180 : memref<10000x128xbf16, #tpu.memory_space<hbm>>) dst(%dma_wait3A_176 : memref<80x128xbf16, #tpu.memory_space<vmem>>)
      %scan3A_183 = arith.constant 0 : i32
      %scan3A_184 = arith.constant 0 : i32
      %scan3A_185 = arith.constant 0 : i32
      %scan3A_186 = arith.constant 0 : i32
      %scan3A_187 = arith.constant 5 : i32
      %scan3A_188 = arith.addi %scan3A_186, %scan3A_187 : i32
      %scan3A_189 = arith.constant 1 : i32
      %scan3A_190 = scf.for %scan3A_370 = %scan3A_186 to %scan3A_188 step %scan3A_189 iter_args(%scan3A_371 = %scan3A_185) -> (i32)  : i32 {
        %broadcast_in_dim3A = arith.constant 0.000000e+00 : f32
        %broadcast_in_dim3A_372 = vector.broadcast %broadcast_in_dim3A : f32 to vector<16xf32>
        %scan3A_373 = arith.constant 0 : i32
        %scan3A_374 = arith.constant 8 : i32
        %scan3A_375 = arith.addi %scan3A_373, %scan3A_374 : i32
        %scan3A_376 = arith.constant 1 : i32
        %scan3A_377 = scf.for %scan3A_386 = %scan3A_373 to %scan3A_375 step %scan3A_376 iter_args(%scan3A_387 = %broadcast_in_dim3A_372) -> (vector<16xf32>)  : i32 {
          %mul3A_388 = arith.constant 16 : i32
          %mul3A_389 = arith.muli %scan3A_370, %mul3A_388 : i32
          %mul3A_390 = arith.constant 2 : i32
          %mul3A_391 = arith.muli %mul3A_390, %scan3A_386 : i32
          %add3A_392 = arith.addi %mul3A_389, %mul3A_391 : i32
          %add3A_393 = arith.constant 0 : i32
          %add3A_394 = arith.addi %add3A_392, %add3A_393 : i32
          %broadcast_in_dim3A_395 = arith.constant 0.000000e+00 : bf16
          %broadcast_in_dim3A_396 = vector.broadcast %broadcast_in_dim3A_395 : bf16 to vector<32xbf16>
          %get3A = arith.constant 0 : i32
          %get3A_397 = arith.constant 0 : i32
          %get3A_398 = tpu.memref_slice %arg7[%scan3A_183, %get3A, %get3A_397] : memref<3x80x128xbf16, #tpu.memory_space<vmem>> -> memref<1x80x128xbf16, #tpu.memory_space<vmem>>
          %get3A_399 = tpu.memref_squeeze %get3A_398 : memref<1x80x128xbf16, #tpu.memory_space<vmem>> -> memref<80x128xbf16, #tpu.memory_space<vmem>>
          %get3A_400 = arith.index_cast %add3A_394 : i32 to index
          %get3A_401 = arith.constant 0 : index
          %get3A_402 = tpu.vector_load %get3A_399[%get3A_400, %get3A_401] {strides = array<i32>} : memref<80x128xbf16, #tpu.memory_space<vmem>>, vector<32xbf16>,
          %get3A_403 = arith.constant 0 : i32
          %get3A_404 = arith.constant 0 : i32
          %get3A_405 = tpu.memref_slice %arg8[%scan3A_184, %get3A_403, %get3A_404] : memref<3x80x128xbf16, #tpu.memory_space<vmem>> -> memref<1x80x128xbf16, #tpu.memory_space<vmem>>
          %get3A_406 = tpu.memref_squeeze %get3A_405 : memref<1x80x128xbf16, #tpu.memory_space<vmem>> -> memref<80x128xbf16, #tpu.memory_space<vmem>>
          %get3A_407 = arith.index_cast %add3A_394 : i32 to index
          %get3A_408 = arith.constant 0 : index
          %get3A_409 = tpu.vector_load %get3A_406[%get3A_407, %get3A_408] {strides = array<i32>} : memref<80x128xbf16, #tpu.memory_space<vmem>>, vector<32xbf16>,
          %mul3A_410 = arith.mulf %get3A_402, %get3A_409 : vector<32xbf16>
          %add3A_411 = arith.addf %broadcast_in_dim3A_396, %mul3A_410 : vector<32xbf16>
          %get3A_412 = arith.constant 0 : i32
          %get3A_413 = arith.constant 0 : i32
          %get3A_414 = tpu.memref_slice %arg7[%scan3A_183, %get3A_412, %get3A_413] : memref<3x80x128xbf16, #tpu.memory_space<vmem>> -> memref<1x80x128xbf16, #tpu.memory_space<vmem>>
          %get3A_415 = tpu.memref_squeeze %get3A_414 : memref<1x80x128xbf16, #tpu.memory_space<vmem>> -> memref<80x128xbf16, #tpu.memory_space<vmem>>
          %get3A_416 = arith.index_cast %add3A_394 : i32 to index
          %get3A_417 = arith.constant 32 : index
          %get3A_418 = tpu.vector_load %get3A_415[%get3A_416, %get3A_417] {strides = array<i32>} : memref<80x128xbf16, #tpu.memory_space<vmem>>, vector<32xbf16>,
          %get3A_419 = arith.constant 0 : i32
          %get3A_420 = arith.constant 0 : i32
          %get3A_421 = tpu.memref_slice %arg8[%scan3A_184, %get3A_419, %get3A_420] : memref<3x80x128xbf16, #tpu.memory_space<vmem>> -> memref<1x80x128xbf16, #tpu.memory_space<vmem>>
          %get3A_422 = tpu.memref_squeeze %get3A_421 : memref<1x80x128xbf16, #tpu.memory_space<vmem>> -> memref<80x128xbf16, #tpu.memory_space<vmem>>
          %get3A_423 = arith.index_cast %add3A_394 : i32 to index
          %get3A_424 = arith.constant 32 : index
          %get3A_425 = tpu.vector_load %get3A_422[%get3A_423, %get3A_424] {strides = array<i32>} : memref<80x128xbf16, #tpu.memory_space<vmem>>, vector<32xbf16>,
          %mul3A_426 = arith.mulf %get3A_418, %get3A_425 : vector<32xbf16>
          %add3A_427 = arith.addf %add3A_411, %mul3A_426 : vector<32xbf16>
          %get3A_428 = arith.constant 0 : i32
          %get3A_429 = arith.constant 0 : i32
          %get3A_430 = tpu.memref_slice %arg7[%scan3A_183, %get3A_428, %get3A_429] : memref<3x80x128xbf16, #tpu.memory_space<vmem>> -> memref<1x80x128xbf16, #tpu.memory_space<vmem>>
          %get3A_431 = tpu.memref_squeeze %get3A_430 : memref<1x80x128xbf16, #tpu.memory_space<vmem>> -> memref<80x128xbf16, #tpu.memory_space<vmem>>
          %get3A_432 = arith.index_cast %add3A_394 : i32 to index
          %get3A_433 = arith.constant 64 : index
          %get3A_434 = tpu.vector_load %get3A_431[%get3A_432, %get3A_433] {strides = array<i32>} : memref<80x128xbf16, #tpu.memory_space<vmem>>, vector<32xbf16>,
          %get3A_435 = arith.constant 0 : i32
          %get3A_436 = arith.constant 0 : i32
          %get3A_437 = tpu.memref_slice %arg8[%scan3A_184, %get3A_435, %get3A_436] : memref<3x80x128xbf16, #tpu.memory_space<vmem>> -> memref<1x80x128xbf16, #tpu.memory_space<vmem>>
          %get3A_438 = tpu.memref_squeeze %get3A_437 : memref<1x80x128xbf16, #tpu.memory_space<vmem>> -> memref<80x128xbf16, #tpu.memory_space<vmem>>
          %get3A_439 = arith.index_cast %add3A_394 : i32 to index
          %get3A_440 = arith.constant 64 : index
          %get3A_441 = tpu.vector_load %get3A_438[%get3A_439, %get3A_440] {strides = array<i32>} : memref<80x128xbf16, #tpu.memory_space<vmem>>, vector<32xbf16>,
          %mul3A_442 = arith.mulf %get3A_434, %get3A_441 : vector<32xbf16>
          %add3A_443 = arith.addf %add3A_427, %mul3A_442 : vector<32xbf16>
          %get3A_444 = arith.constant 0 : i32
          %get3A_445 = arith.constant 0 : i32
          %get3A_446 = tpu.memref_slice %arg7[%scan3A_183, %get3A_444, %get3A_445] : memref<3x80x128xbf16, #tpu.memory_space<vmem>> -> memref<1x80x128xbf16, #tpu.memory_space<vmem>>
          %get3A_447 = tpu.memref_squeeze %get3A_446 : memref<1x80x128xbf16, #tpu.memory_space<vmem>> -> memref<80x128xbf16, #tpu.memory_space<vmem>>
          %get3A_448 = arith.index_cast %add3A_394 : i32 to index
          %get3A_449 = arith.constant 96 : index
          %get3A_450 = tpu.vector_load %get3A_447[%get3A_448, %get3A_449] {strides = array<i32>} : memref<80x128xbf16, #tpu.memory_space<vmem>>, vector<32xbf16>,
          %get3A_451 = arith.constant 0 : i32
          %get3A_452 = arith.constant 0 : i32
          %get3A_453 = tpu.memref_slice %arg8[%scan3A_184, %get3A_451, %get3A_452] : memref<3x80x128xbf16, #tpu.memory_space<vmem>> -> memref<1x80x128xbf16, #tpu.memory_space<vmem>>
          %get3A_454 = tpu.memref_squeeze %get3A_453 : memref<1x80x128xbf16, #tpu.memory_space<vmem>> -> memref<80x128xbf16, #tpu.memory_space<vmem>>
          %get3A_455 = arith.index_cast %add3A_394 : i32 to index
          %get3A_456 = arith.constant 96 : index
          %get3A_457 = tpu.vector_load %get3A_454[%get3A_455, %get3A_456] {strides = array<i32>} : memref<80x128xbf16, #tpu.memory_space<vmem>>, vector<32xbf16>,
          %mul3A_458 = arith.mulf %get3A_450, %get3A_457 : vector<32xbf16>
          %add3A_459 = arith.addf %add3A_443, %mul3A_458 : vector<32xbf16>
          %unpack3A = tpu.unpack_subelements %add3A_459, 0 {pack_format = #tpu.pack_format<interleaved>} : vector<32xbf16> -> vector<16xf32>
          %unpack3A_460 = tpu.unpack_subelements %add3A_459, 1 {pack_format = #tpu.pack_format<interleaved>} : vector<32xbf16> -> vector<16xf32>
          %mul3A_461 = arith.constant 2 : i32
          %mul3A_462 = arith.muli %mul3A_461, %scan3A_386 : i32
          %add3A_463 = arith.constant 0 : i32
          %add3A_464 = arith.addi %mul3A_462, %add3A_463 : i32
          %eq3A = vector.broadcast %add3A_464 : i32 to vector<16xi32>
          %eq3A_465 = arith.cmpi eq, %iota3A, %eq3A : vector<16xi32>
          %add3A_466 = arith.addf %unpack3A, %unpack3A_460 : vector<16xf32>
          %reduce_sum3A = arith.constant true
          %reduce_sum3A_467 = vector.broadcast %reduce_sum3A : i1 to vector<16xi1>
          %reduce_sum3A_468 = tpu.scan <sum>, %add3A_466 masked %reduce_sum3A_467 : vector<16xf32>, vector<16xi1> -> vector<16xf32>
          %reduce_sum3A_469 = vector.extract %reduce_sum3A_468[15] : f32 from vector<16xf32>
          %broadcast_in_dim3A_470 = vector.broadcast %reduce_sum3A_469 : f32 to vector<16xf32>
          %select_n3A = arith.select %eq3A_465, %broadcast_in_dim3A_470, %scan3A_387 : vector<16xi1>, vector<16xf32>
          %mul3A_471 = arith.constant 16 : i32
          %mul3A_472 = arith.muli %scan3A_370, %mul3A_471 : i32
          %mul3A_473 = arith.constant 2 : i32
          %mul3A_474 = arith.muli %mul3A_473, %scan3A_386 : i32
          %add3A_475 = arith.addi %mul3A_472, %mul3A_474 : i32
          %add3A_476 = arith.constant 1 : i32
          %add3A_477 = arith.addi %add3A_475, %add3A_476 : i32
          %broadcast_in_dim3A_478 = arith.constant 0.000000e+00 : bf16
          %broadcast_in_dim3A_479 = vector.broadcast %broadcast_in_dim3A_478 : bf16 to vector<32xbf16>
          %get3A_480 = arith.constant 0 : i32
          %get3A_481 = arith.constant 0 : i32
          %get3A_482 = tpu.memref_slice %arg7[%scan3A_183, %get3A_480, %get3A_481] : memref<3x80x128xbf16, #tpu.memory_space<vmem>> -> memref<1x80x128xbf16, #tpu.memory_space<vmem>>
          %get3A_483 = tpu.memref_squeeze %get3A_482 : memref<1x80x128xbf16, #tpu.memory_space<vmem>> -> memref<80x128xbf16, #tpu.memory_space<vmem>>
          %get3A_484 = arith.index_cast %add3A_477 : i32 to index
          %get3A_485 = arith.constant 0 : index
          %get3A_486 = tpu.vector_load %get3A_483[%get3A_484, %get3A_485] {strides = array<i32>} : memref<80x128xbf16, #tpu.memory_space<vmem>>, vector<32xbf16>,
          %get3A_487 = arith.constant 0 : i32
          %get3A_488 = arith.constant 0 : i32
          %get3A_489 = tpu.memref_slice %arg8[%scan3A_184, %get3A_487, %get3A_488] : memref<3x80x128xbf16, #tpu.memory_space<vmem>> -> memref<1x80x128xbf16, #tpu.memory_space<vmem>>
          %get3A_490 = tpu.memref_squeeze %get3A_489 : memref<1x80x128xbf16, #tpu.memory_space<vmem>> -> memref<80x128xbf16, #tpu.memory_space<vmem>>
          %get3A_491 = arith.index_cast %add3A_477 : i32 to index
          %get3A_492 = arith.constant 0 : index
          %get3A_493 = tpu.vector_load %get3A_490[%get3A_491, %get3A_492] {strides = array<i32>} : memref<80x128xbf16, #tpu.memory_space<vmem>>, vector<32xbf16>,
          %mul3A_494 = arith.mulf %get3A_486, %get3A_493 : vector<32xbf16>
          %add3A_495 = arith.addf %broadcast_in_dim3A_479, %mul3A_494 : vector<32xbf16>
          %get3A_496 = arith.constant 0 : i32
          %get3A_497 = arith.constant 0 : i32
          %get3A_498 = tpu.memref_slice %arg7[%scan3A_183, %get3A_496, %get3A_497] : memref<3x80x128xbf16, #tpu.memory_space<vmem>> -> memref<1x80x128xbf16, #tpu.memory_space<vmem>>
          %get3A_499 = tpu.memref_squeeze %get3A_498 : memref<1x80x128xbf16, #tpu.memory_space<vmem>> -> memref<80x128xbf16, #tpu.memory_space<vmem>>
          %get3A_500 = arith.index_cast %add3A_477 : i32 to index
          %get3A_501 = arith.constant 32 : index
          %get3A_502 = tpu.vector_load %get3A_499[%get3A_500, %get3A_501] {strides = array<i32>} : memref<80x128xbf16, #tpu.memory_space<vmem>>, vector<32xbf16>,
          %get3A_503 = arith.constant 0 : i32
          %get3A_504 = arith.constant 0 : i32
          %get3A_505 = tpu.memref_slice %arg8[%scan3A_184, %get3A_503, %get3A_504] : memref<3x80x128xbf16, #tpu.memory_space<vmem>> -> memref<1x80x128xbf16, #tpu.memory_space<vmem>>
          %get3A_506 = tpu.memref_squeeze %get3A_505 : memref<1x80x128xbf16, #tpu.memory_space<vmem>> -> memref<80x128xbf16, #tpu.memory_space<vmem>>
          %get3A_507 = arith.index_cast %add3A_477 : i32 to index
          %get3A_508 = arith.constant 32 : index
          %get3A_509 = tpu.vector_load %get3A_506[%get3A_507, %get3A_508] {strides = array<i32>} : memref<80x128xbf16, #tpu.memory_space<vmem>>, vector<32xbf16>,
          %mul3A_510 = arith.mulf %get3A_502, %get3A_509 : vector<32xbf16>
          %add3A_511 = arith.addf %add3A_495, %mul3A_510 : vector<32xbf16>
          %get3A_512 = arith.constant 0 : i32
          %get3A_513 = arith.constant 0 : i32
          %get3A_514 = tpu.memref_slice %arg7[%scan3A_183, %get3A_512, %get3A_513] : memref<3x80x128xbf16, #tpu.memory_space<vmem>> -> memref<1x80x128xbf16, #tpu.memory_space<vmem>>
          %get3A_515 = tpu.memref_squeeze %get3A_514 : memref<1x80x128xbf16, #tpu.memory_space<vmem>> -> memref<80x128xbf16, #tpu.memory_space<vmem>>
          %get3A_516 = arith.index_cast %add3A_477 : i32 to index
          %get3A_517 = arith.constant 64 : index
          %get3A_518 = tpu.vector_load %get3A_515[%get3A_516, %get3A_517] {strides = array<i32>} : memref<80x128xbf16, #tpu.memory_space<vmem>>, vector<32xbf16>,
          %get3A_519 = arith.constant 0 : i32
          %get3A_520 = arith.constant 0 : i32
          %get3A_521 = tpu.memref_slice %arg8[%scan3A_184, %get3A_519, %get3A_520] : memref<3x80x128xbf16, #tpu.memory_space<vmem>> -> memref<1x80x128xbf16, #tpu.memory_space<vmem>>
          %get3A_522 = tpu.memref_squeeze %get3A_521 : memref<1x80x128xbf16, #tpu.memory_space<vmem>> -> memref<80x128xbf16, #tpu.memory_space<vmem>>
          %get3A_523 = arith.index_cast %add3A_477 : i32 to index
          %get3A_524 = arith.constant 64 : index
          %get3A_525 = tpu.vector_load %get3A_522[%get3A_523, %get3A_524] {strides = array<i32>} : memref<80x128xbf16, #tpu.memory_space<vmem>>, vector<32xbf16>,
          %mul3A_526 = arith.mulf %get3A_518, %get3A_525 : vector<32xbf16>
          %add3A_527 = arith.addf %add3A_511, %mul3A_526 : vector<32xbf16>
          %get3A_528 = arith.constant 0 : i32
          %get3A_529 = arith.constant 0 : i32
          %get3A_530 = tpu.memref_slice %arg7[%scan3A_183, %get3A_528, %get3A_529] : memref<3x80x128xbf16, #tpu.memory_space<vmem>> -> memref<1x80x128xbf16, #tpu.memory_space<vmem>>
          %get3A_531 = tpu.memref_squeeze %get3A_530 : memref<1x80x128xbf16, #tpu.memory_space<vmem>> -> memref<80x128xbf16, #tpu.memory_space<vmem>>
          %get3A_532 = arith.index_cast %add3A_477 : i32 to index
          %get3A_533 = arith.constant 96 : index
          %get3A_534 = tpu.vector_load %get3A_531[%get3A_532, %get3A_533] {strides = array<i32>} : memref<80x128xbf16, #tpu.memory_space<vmem>>, vector<32xbf16>,
          %get3A_535 = arith.constant 0 : i32
          %get3A_536 = arith.constant 0 : i32
          %get3A_537 = tpu.memref_slice %arg8[%scan3A_184, %get3A_535, %get3A_536] : memref<3x80x128xbf16, #tpu.memory_space<vmem>> -> memref<1x80x128xbf16, #tpu.memory_space<vmem>>
          %get3A_538 = tpu.memref_squeeze %get3A_537 : memref<1x80x128xbf16, #tpu.memory_space<vmem>> -> memref<80x128xbf16, #tpu.memory_space<vmem>>
          %get3A_539 = arith.index_cast %add3A_477 : i32 to index
          %get3A_540 = arith.constant 96 : index
          %get3A_541 = tpu.vector_load %get3A_538[%get3A_539, %get3A_540] {strides = array<i32>} : memref<80x128xbf16, #tpu.memory_space<vmem>>, vector<32xbf16>,
          %mul3A_542 = arith.mulf %get3A_534, %get3A_541 : vector<32xbf16>
          %add3A_543 = arith.addf %add3A_527, %mul3A_542 : vector<32xbf16>
          %unpack3A_544 = tpu.unpack_subelements %add3A_543, 0 {pack_format = #tpu.pack_format<interleaved>} : vector<32xbf16> -> vector<16xf32>
          %unpack3A_545 = tpu.unpack_subelements %add3A_543, 1 {pack_format = #tpu.pack_format<interleaved>} : vector<32xbf16> -> vector<16xf32>
          %mul3A_546 = arith.constant 2 : i32
          %mul3A_547 = arith.muli %mul3A_546, %scan3A_386 : i32
          %add3A_548 = arith.constant 1 : i32
          %add3A_549 = arith.addi %mul3A_547, %add3A_548 : i32
          %eq3A_550 = vector.broadcast %add3A_549 : i32 to vector<16xi32>
          %eq3A_551 = arith.cmpi eq, %iota3A, %eq3A_550 : vector<16xi32>
          %add3A_552 = arith.addf %unpack3A_544, %unpack3A_545 : vector<16xf32>
          %reduce_sum3A_553 = arith.constant true
          %reduce_sum3A_554 = vector.broadcast %reduce_sum3A_553 : i1 to vector<16xi1>
          %reduce_sum3A_555 = tpu.scan <sum>, %add3A_552 masked %reduce_sum3A_554 : vector<16xf32>, vector<16xi1> -> vector<16xf32>
          %reduce_sum3A_556 = vector.extract %reduce_sum3A_555[15] : f32 from vector<16xf32>
          %broadcast_in_dim3A_557 = vector.broadcast %reduce_sum3A_556 : f32 to vector<16xf32>
          %select_n3A_558 = arith.select %eq3A_551, %broadcast_in_dim3A_557, %select_n3A : vector<16xi1>, vector<16xf32>
          scf.yield %select_n3A_558 : vector<16xf32>
        }
        %scan3A_378 = arith.constant 8 : i32
        %mul3A_379 = arith.constant 80 : i32
        %mul3A_380 = arith.muli %add3A_154, %mul3A_379 : i32
        %mul3A_381 = arith.constant 16 : i32
        %mul3A_382 = arith.muli %scan3A_370, %mul3A_381 : i32
        %add3A_383 = arith.addi %mul3A_380, %mul3A_382 : i32
        %swap3A = arith.index_cast %add3A_383 : i32 to index
        %swap3A_384 = tpu.vector_load %arg9[%swap3A] {strides = array<i32>} : memref<10000xf32, #tpu.memory_space<vmem>>, vector<16xf32>,
        tpu.vector_store %arg9[%swap3A], %scan3A_377 {strides = array<i32>} : memref<10000xf32, #tpu.memory_space<vmem>>, vector<16xf32>,
        %scan3A_385 = arith.constant 0 : i32
        scf.yield %scan3A_385 : i32
      }
      %scan3A_191 = arith.constant 5 : i32
      %add3A_192 = arith.constant 3 : i32
      %add3A_193 = arith.addi %add3A_154, %add3A_192 : i32
      %sub3A = arith.constant 1 : i32
      %sub3A_194 = arith.subi %add3A_193, %sub3A : i32
      %mul3A_195 = arith.constant 80 : i32
      %mul3A_196 = arith.muli %sub3A_194, %mul3A_195 : i32
      %dma_start3A_197 = arith.constant 2 : i32
      %dma_start3A_198 = arith.constant 2 : i32
      %dma_start3A_199 = arith.constant 0 : i32
      %dma_start3A_200 = arith.constant 0 : i32
      %dma_start3A_201 = tpu.memref_slice %arg7[%dma_start3A_197, %dma_start3A_199, %dma_start3A_200] : memref<3x80x128xbf16, #tpu.memory_space<vmem>> -> memref<1x80x128xbf16, #tpu.memory_space<vmem>>
      %dma_start3A_202 = tpu.memref_squeeze %dma_start3A_201 : memref<1x80x128xbf16, #tpu.memory_space<vmem>> -> memref<80x128xbf16, #tpu.memory_space<vmem>>
      %dma_start3A_203 = tpu.memref_slice %arg5[%mul3A_196] : memref<10000xi32, #tpu.memory_space<vmem>> -> memref<80xi32, #tpu.memory_space<vmem>>
      %dma_start3A_204 = arith.constant 0 : i32
      %dma_start3A_205 = arith.constant 0 : i32
      %dma_start3A_206 = tpu.memref_slice %arg2[%dma_start3A_204, %dma_start3A_205] : memref<10000x128xbf16, #tpu.memory_space<hbm>> -> memref<10000x128xbf16, #tpu.memory_space<hbm>>
      %dma_start3A_207 = tpu.memref_slice %arg10[%dma_start3A_198] : memref<3x!tpu.dma_semaphore, #tpu.memory_space<semaphore_mem>> -> memref<1x!tpu.dma_semaphore, #tpu.memory_space<semaphore_mem>>
      %dma_start3A_208 = tpu.memref_squeeze %dma_start3A_207 : memref<1x!tpu.dma_semaphore, #tpu.memory_space<semaphore_mem>> -> memref<!tpu.dma_semaphore, #tpu.memory_space<semaphore_mem>>
      tpu.enqueue_indirect_dma source(%dma_start3A_206 : memref<10000x128xbf16, #tpu.memory_space<hbm>>) target(%dma_start3A_202 : memref<80x128xbf16, #tpu.memory_space<vmem>>) offsets(%dma_start3A_203 : memref<80xi32, #tpu.memory_space<vmem>>) semaphore(%dma_start3A_208 : memref<!tpu.dma_semaphore, #tpu.memory_space<semaphore_mem>>)
      %mul3A_209 = arith.constant 80 : i32
      %mul3A_210 = arith.muli %sub3A_194, %mul3A_209 : i32
      %dma_start3A_211 = arith.constant 2 : i32
      %dma_start3A_212 = arith.constant 2 : i32
      %dma_start3A_213 = arith.constant 0 : i32
      %dma_start3A_214 = arith.constant 0 : i32
      %dma_start3A_215 = tpu.memref_slice %arg8[%dma_start3A_211, %dma_start3A_213, %dma_start3A_214] : memref<3x80x128xbf16, #tpu.memory_space<vmem>> -> memref<1x80x128xbf16, #tpu.memory_space<vmem>>
      %dma_start3A_216 = tpu.memref_squeeze %dma_start3A_215 : memref<1x80x128xbf16, #tpu.memory_space<vmem>> -> memref<80x128xbf16, #tpu.memory_space<vmem>>
      %dma_start3A_217 = tpu.memref_slice %arg6[%mul3A_210] : memref<10000xi32, #tpu.memory_space<vmem>> -> memref<80xi32, #tpu.memory_space<vmem>>
      %dma_start3A_218 = arith.constant 0 : i32
      %dma_start3A_219 = arith.constant 0 : i32
      %dma_start3A_220 = tpu.memref_slice %arg2[%dma_start3A_218, %dma_start3A_219] : memref<10000x128xbf16, #tpu.memory_space<hbm>> -> memref<10000x128xbf16, #tpu.memory_space<hbm>>
      %dma_start3A_221 = tpu.memref_slice %arg10[%dma_start3A_212] : memref<3x!tpu.dma_semaphore, #tpu.memory_space<semaphore_mem>> -> memref<1x!tpu.dma_semaphore, #tpu.memory_space<semaphore_mem>>
      %dma_start3A_222 = tpu.memref_squeeze %dma_start3A_221 : memref<1x!tpu.dma_semaphore, #tpu.memory_space<semaphore_mem>> -> memref<!tpu.dma_semaphore, #tpu.memory_space<semaphore_mem>>
      tpu.enqueue_indirect_dma source(%dma_start3A_220 : memref<10000x128xbf16, #tpu.memory_space<hbm>>) target(%dma_start3A_216 : memref<80x128xbf16, #tpu.memory_space<vmem>>) offsets(%dma_start3A_217 : memref<80xi32, #tpu.memory_space<vmem>>) semaphore(%dma_start3A_222 : memref<!tpu.dma_semaphore, #tpu.memory_space<semaphore_mem>>)
      %mul3A_223 = arith.constant 3 : i32
      %mul3A_224 = arith.muli %mul3A_223, %scan3A_149 : i32
      %add3A_225 = arith.constant 1 : i32
      %add3A_226 = arith.addi %mul3A_224, %add3A_225 : i32
      %mul3A_227 = arith.constant 80 : i32
      %mul3A_228 = arith.muli %add3A_226, %mul3A_227 : i32
      %dma_wait3A_229 = arith.constant 1 : i32
      %dma_wait3A_230 = arith.constant 1 : i32
      %dma_wait3A_231 = arith.constant 0 : i32
      %dma_wait3A_232 = arith.constant 0 : i32
      %dma_wait3A_233 = tpu.memref_slice %arg7[%dma_wait3A_229, %dma_wait3A_231, %dma_wait3A_232] : memref<3x80x128xbf16, #tpu.memory_space<vmem>> -> memref<1x80x128xbf16, #tpu.memory_space<vmem>>
      %dma_wait3A_234 = tpu.memref_squeeze %dma_wait3A_233 : memref<1x80x128xbf16, #tpu.memory_space<vmem>> -> memref<80x128xbf16, #tpu.memory_space<vmem>>
      %dma_wait3A_235 = tpu.memref_slice %arg5[%mul3A_228] : memref<10000xi32, #tpu.memory_space<vmem>> -> memref<80xi32, #tpu.memory_space<vmem>>
      %dma_wait3A_236 = arith.constant 0 : i32
      %dma_wait3A_237 = arith.constant 0 : i32
      %dma_wait3A_238 = tpu.memref_slice %arg2[%dma_wait3A_236, %dma_wait3A_237] : memref<10000x128xbf16, #tpu.memory_space<hbm>> -> memref<10000x128xbf16, #tpu.memory_space<hbm>>
      %dma_wait3A_239 = tpu.memref_slice %arg10[%dma_wait3A_230] : memref<3x!tpu.dma_semaphore, #tpu.memory_space<semaphore_mem>> -> memref<1x!tpu.dma_semaphore, #tpu.memory_space<semaphore_mem>>
      %dma_wait3A_240 = tpu.memref_squeeze %dma_wait3A_239 : memref<1x!tpu.dma_semaphore, #tpu.memory_space<semaphore_mem>> -> memref<!tpu.dma_semaphore, #tpu.memory_space<semaphore_mem>>
      tpu.wait_indirect_dma semaphore(%dma_wait3A_240 : memref<!tpu.dma_semaphore, #tpu.memory_space<semaphore_mem>>) src(%dma_wait3A_238 : memref<10000x128xbf16, #tpu.memory_space<hbm>>) dst(%dma_wait3A_234 : memref<80x128xbf16, #tpu.memory_space<vmem>>)
      %mul3A_241 = arith.constant 80 : i32
      %mul3A_242 = arith.muli %add3A_226, %mul3A_241 : i32
      %dma_wait3A_243 = arith.constant 1 : i32
      %dma_wait3A_244 = arith.constant 1 : i32
      %dma_wait3A_245 = arith.constant 0 : i32
      %dma_wait3A_246 = arith.constant 0 : i32
      %dma_wait3A_247 = tpu.memref_slice %arg8[%dma_wait3A_243, %dma_wait3A_245, %dma_wait3A_246] : memref<3x80x128xbf16, #tpu.memory_space<vmem>> -> memref<1x80x128xbf16, #tpu.memory_space<vmem>>
      %dma_wait3A_248 = tpu.memref_squeeze %dma_wait3A_247 : memref<1x80x128xbf16, #tpu.memory_space<vmem>> -> memref<80x128xbf16, #tpu.memory_space<vmem>>
      %dma_wait3A_249 = tpu.memref_slice %arg6[%mul3A_242] : memref<10000xi32, #tpu.memory_space<vmem>> -> memref<80xi32, #tpu.memory_space<vmem>>
      %dma_wait3A_250 = arith.constant 0 : i32
      %dma_wait3A_251 = arith.constant 0 : i32
      %dma_wait3A_252 = tpu.memref_slice %arg2[%dma_wait3A_250, %dma_wait3A_251] : memref<10000x128xbf16, #tpu.memory_space<hbm>> -> memref<10000x128xbf16, #tpu.memory_space<hbm>>
      %dma_wait3A_253 = tpu.memref_slice %arg10[%dma_wait3A_244] : memref<3x!tpu.dma_semaphore, #tpu.memory_space<semaphore_mem>> -> memref<1x!tpu.dma_semaphore, #tpu.memory_space<semaphore_mem>>
      %dma_wait3A_254 = tpu.memref_squeeze %dma_wait3A_253 : memref<1x!tpu.dma_semaphore, #tpu.memory_space<semaphore_mem>> -> memref<!tpu.dma_semaphore, #tpu.memory_space<semaphore_mem>>
      tpu.wait_indirect_dma semaphore(%dma_wait3A_254 : memref<!tpu.dma_semaphore, #tpu.memory_space<semaphore_mem>>) src(%dma_wait3A_252 : memref<10000x128xbf16, #tpu.memory_space<hbm>>) dst(%dma_wait3A_248 : memref<80x128xbf16, #tpu.memory_space<vmem>>)
      %scan3A_255 = arith.constant 1 : i32
      %scan3A_256 = arith.constant 1 : i32
      %scan3A_257 = arith.constant 0 : i32
      %scan3A_258 = arith.constant 0 : i32
      %scan3A_259 = arith.constant 5 : i32
      %scan3A_260 = arith.addi %scan3A_258, %scan3A_259 : i32
      %scan3A_261 = arith.constant 1 : i32
      %scan3A_262 = scf.for %scan3A_370 = %scan3A_258 to %scan3A_260 step %scan3A_261 iter_args(%scan3A_371 = %scan3A_257) -> (i32)  : i32 {
        %broadcast_in_dim3A = arith.constant 0.000000e+00 : f32
        %broadcast_in_dim3A_372 = vector.broadcast %broadcast_in_dim3A : f32 to vector<16xf32>
        %scan3A_373 = arith.constant 0 : i32
        %scan3A_374 = arith.constant 8 : i32
        %scan3A_375 = arith.addi %scan3A_373, %scan3A_374 : i32
        %scan3A_376 = arith.constant 1 : i32
        %scan3A_377 = scf.for %scan3A_386 = %scan3A_373 to %scan3A_375 step %scan3A_376 iter_args(%scan3A_387 = %broadcast_in_dim3A_372) -> (vector<16xf32>)  : i32 {
          %mul3A_388 = arith.constant 16 : i32
          %mul3A_389 = arith.muli %scan3A_370, %mul3A_388 : i32
          %mul3A_390 = arith.constant 2 : i32
          %mul3A_391 = arith.muli %mul3A_390, %scan3A_386 : i32
          %add3A_392 = arith.addi %mul3A_389, %mul3A_391 : i32
          %add3A_393 = arith.constant 0 : i32
          %add3A_394 = arith.addi %add3A_392, %add3A_393 : i32
          %broadcast_in_dim3A_395 = arith.constant 0.000000e+00 : bf16
          %broadcast_in_dim3A_396 = vector.broadcast %broadcast_in_dim3A_395 : bf16 to vector<32xbf16>
          %get3A = arith.constant 0 : i32
          %get3A_397 = arith.constant 0 : i32
          %get3A_398 = tpu.memref_slice %arg7[%scan3A_255, %get3A, %get3A_397] : memref<3x80x128xbf16, #tpu.memory_space<vmem>> -> memref<1x80x128xbf16, #tpu.memory_space<vmem>>
          %get3A_399 = tpu.memref_squeeze %get3A_398 : memref<1x80x128xbf16, #tpu.memory_space<vmem>> -> memref<80x128xbf16, #tpu.memory_space<vmem>>
          %get3A_400 = arith.index_cast %add3A_394 : i32 to index
          %get3A_401 = arith.constant 0 : index
          %get3A_402 = tpu.vector_load %get3A_399[%get3A_400, %get3A_401] {strides = array<i32>} : memref<80x128xbf16, #tpu.memory_space<vmem>>, vector<32xbf16>,
          %get3A_403 = arith.constant 0 : i32
          %get3A_404 = arith.constant 0 : i32
          %get3A_405 = tpu.memref_slice %arg8[%scan3A_256, %get3A_403, %get3A_404] : memref<3x80x128xbf16, #tpu.memory_space<vmem>> -> memref<1x80x128xbf16, #tpu.memory_space<vmem>>
          %get3A_406 = tpu.memref_squeeze %get3A_405 : memref<1x80x128xbf16, #tpu.memory_space<vmem>> -> memref<80x128xbf16, #tpu.memory_space<vmem>>
          %get3A_407 = arith.index_cast %add3A_394 : i32 to index
          %get3A_408 = arith.constant 0 : index
          %get3A_409 = tpu.vector_load %get3A_406[%get3A_407, %get3A_408] {strides = array<i32>} : memref<80x128xbf16, #tpu.memory_space<vmem>>, vector<32xbf16>,
          %mul3A_410 = arith.mulf %get3A_402, %get3A_409 : vector<32xbf16>
          %add3A_411 = arith.addf %broadcast_in_dim3A_396, %mul3A_410 : vector<32xbf16>
          %get3A_412 = arith.constant 0 : i32
          %get3A_413 = arith.constant 0 : i32
          %get3A_414 = tpu.memref_slice %arg7[%scan3A_255, %get3A_412, %get3A_413] : memref<3x80x128xbf16, #tpu.memory_space<vmem>> -> memref<1x80x128xbf16, #tpu.memory_space<vmem>>
          %get3A_415 = tpu.memref_squeeze %get3A_414 : memref<1x80x128xbf16, #tpu.memory_space<vmem>> -> memref<80x128xbf16, #tpu.memory_space<vmem>>
          %get3A_416 = arith.index_cast %add3A_394 : i32 to index
          %get3A_417 = arith.constant 32 : index
          %get3A_418 = tpu.vector_load %get3A_415[%get3A_416, %get3A_417] {strides = array<i32>} : memref<80x128xbf16, #tpu.memory_space<vmem>>, vector<32xbf16>,
          %get3A_419 = arith.constant 0 : i32
          %get3A_420 = arith.constant 0 : i32
          %get3A_421 = tpu.memref_slice %arg8[%scan3A_256, %get3A_419, %get3A_420] : memref<3x80x128xbf16, #tpu.memory_space<vmem>> -> memref<1x80x128xbf16, #tpu.memory_space<vmem>>
          %get3A_422 = tpu.memref_squeeze %get3A_421 : memref<1x80x128xbf16, #tpu.memory_space<vmem>> -> memref<80x128xbf16, #tpu.memory_space<vmem>>
          %get3A_423 = arith.index_cast %add3A_394 : i32 to index
          %get3A_424 = arith.constant 32 : index
          %get3A_425 = tpu.vector_load %get3A_422[%get3A_423, %get3A_424] {strides = array<i32>} : memref<80x128xbf16, #tpu.memory_space<vmem>>, vector<32xbf16>,
          %mul3A_426 = arith.mulf %get3A_418, %get3A_425 : vector<32xbf16>
          %add3A_427 = arith.addf %add3A_411, %mul3A_426 : vector<32xbf16>
          %get3A_428 = arith.constant 0 : i32
          %get3A_429 = arith.constant 0 : i32
          %get3A_430 = tpu.memref_slice %arg7[%scan3A_255, %get3A_428, %get3A_429] : memref<3x80x128xbf16, #tpu.memory_space<vmem>> -> memref<1x80x128xbf16, #tpu.memory_space<vmem>>
          %get3A_431 = tpu.memref_squeeze %get3A_430 : memref<1x80x128xbf16, #tpu.memory_space<vmem>> -> memref<80x128xbf16, #tpu.memory_space<vmem>>
          %get3A_432 = arith.index_cast %add3A_394 : i32 to index
          %get3A_433 = arith.constant 64 : index
          %get3A_434 = tpu.vector_load %get3A_431[%get3A_432, %get3A_433] {strides = array<i32>} : memref<80x128xbf16, #tpu.memory_space<vmem>>, vector<32xbf16>,
          %get3A_435 = arith.constant 0 : i32
          %get3A_436 = arith.constant 0 : i32
          %get3A_437 = tpu.memref_slice %arg8[%scan3A_256, %get3A_435, %get3A_436] : memref<3x80x128xbf16, #tpu.memory_space<vmem>> -> memref<1x80x128xbf16, #tpu.memory_space<vmem>>
          %get3A_438 = tpu.memref_squeeze %get3A_437 : memref<1x80x128xbf16, #tpu.memory_space<vmem>> -> memref<80x128xbf16, #tpu.memory_space<vmem>>
          %get3A_439 = arith.index_cast %add3A_394 : i32 to index
          %get3A_440 = arith.constant 64 : index
          %get3A_441 = tpu.vector_load %get3A_438[%get3A_439, %get3A_440] {strides = array<i32>} : memref<80x128xbf16, #tpu.memory_space<vmem>>, vector<32xbf16>,
          %mul3A_442 = arith.mulf %get3A_434, %get3A_441 : vector<32xbf16>
          %add3A_443 = arith.addf %add3A_427, %mul3A_442 : vector<32xbf16>
          %get3A_444 = arith.constant 0 : i32
          %get3A_445 = arith.constant 0 : i32
          %get3A_446 = tpu.memref_slice %arg7[%scan3A_255, %get3A_444, %get3A_445] : memref<3x80x128xbf16, #tpu.memory_space<vmem>> -> memref<1x80x128xbf16, #tpu.memory_space<vmem>>
          %get3A_447 = tpu.memref_squeeze %get3A_446 : memref<1x80x128xbf16, #tpu.memory_space<vmem>> -> memref<80x128xbf16, #tpu.memory_space<vmem>>
          %get3A_448 = arith.index_cast %add3A_394 : i32 to index
          %get3A_449 = arith.constant 96 : index
          %get3A_450 = tpu.vector_load %get3A_447[%get3A_448, %get3A_449] {strides = array<i32>} : memref<80x128xbf16, #tpu.memory_space<vmem>>, vector<32xbf16>,
          %get3A_451 = arith.constant 0 : i32
          %get3A_452 = arith.constant 0 : i32
          %get3A_453 = tpu.memref_slice %arg8[%scan3A_256, %get3A_451, %get3A_452] : memref<3x80x128xbf16, #tpu.memory_space<vmem>> -> memref<1x80x128xbf16, #tpu.memory_space<vmem>>
          %get3A_454 = tpu.memref_squeeze %get3A_453 : memref<1x80x128xbf16, #tpu.memory_space<vmem>> -> memref<80x128xbf16, #tpu.memory_space<vmem>>
          %get3A_455 = arith.index_cast %add3A_394 : i32 to index
          %get3A_456 = arith.constant 96 : index
          %get3A_457 = tpu.vector_load %get3A_454[%get3A_455, %get3A_456] {strides = array<i32>} : memref<80x128xbf16, #tpu.memory_space<vmem>>, vector<32xbf16>,
          %mul3A_458 = arith.mulf %get3A_450, %get3A_457 : vector<32xbf16>
          %add3A_459 = arith.addf %add3A_443, %mul3A_458 : vector<32xbf16>
          %unpack3A = tpu.unpack_subelements %add3A_459, 0 {pack_format = #tpu.pack_format<interleaved>} : vector<32xbf16> -> vector<16xf32>
          %unpack3A_460 = tpu.unpack_subelements %add3A_459, 1 {pack_format = #tpu.pack_format<interleaved>} : vector<32xbf16> -> vector<16xf32>
          %mul3A_461 = arith.constant 2 : i32
          %mul3A_462 = arith.muli %mul3A_461, %scan3A_386 : i32
          %add3A_463 = arith.constant 0 : i32
          %add3A_464 = arith.addi %mul3A_462, %add3A_463 : i32
          %eq3A = vector.broadcast %add3A_464 : i32 to vector<16xi32>
          %eq3A_465 = arith.cmpi eq, %iota3A, %eq3A : vector<16xi32>
          %add3A_466 = arith.addf %unpack3A, %unpack3A_460 : vector<16xf32>
          %reduce_sum3A = arith.constant true
          %reduce_sum3A_467 = vector.broadcast %reduce_sum3A : i1 to vector<16xi1>
          %reduce_sum3A_468 = tpu.scan <sum>, %add3A_466 masked %reduce_sum3A_467 : vector<16xf32>, vector<16xi1> -> vector<16xf32>
          %reduce_sum3A_469 = vector.extract %reduce_sum3A_468[15] : f32 from vector<16xf32>
          %broadcast_in_dim3A_470 = vector.broadcast %reduce_sum3A_469 : f32 to vector<16xf32>
          %select_n3A = arith.select %eq3A_465, %broadcast_in_dim3A_470, %scan3A_387 : vector<16xi1>, vector<16xf32>
          %mul3A_471 = arith.constant 16 : i32
          %mul3A_472 = arith.muli %scan3A_370, %mul3A_471 : i32
          %mul3A_473 = arith.constant 2 : i32
          %mul3A_474 = arith.muli %mul3A_473, %scan3A_386 : i32
          %add3A_475 = arith.addi %mul3A_472, %mul3A_474 : i32
          %add3A_476 = arith.constant 1 : i32
          %add3A_477 = arith.addi %add3A_475, %add3A_476 : i32
          %broadcast_in_dim3A_478 = arith.constant 0.000000e+00 : bf16
          %broadcast_in_dim3A_479 = vector.broadcast %broadcast_in_dim3A_478 : bf16 to vector<32xbf16>
          %get3A_480 = arith.constant 0 : i32
          %get3A_481 = arith.constant 0 : i32
          %get3A_482 = tpu.memref_slice %arg7[%scan3A_255, %get3A_480, %get3A_481] : memref<3x80x128xbf16, #tpu.memory_space<vmem>> -> memref<1x80x128xbf16, #tpu.memory_space<vmem>>
          %get3A_483 = tpu.memref_squeeze %get3A_482 : memref<1x80x128xbf16, #tpu.memory_space<vmem>> -> memref<80x128xbf16, #tpu.memory_space<vmem>>
          %get3A_484 = arith.index_cast %add3A_477 : i32 to index
          %get3A_485 = arith.constant 0 : index
          %get3A_486 = tpu.vector_load %get3A_483[%get3A_484, %get3A_485] {strides = array<i32>} : memref<80x128xbf16, #tpu.memory_space<vmem>>, vector<32xbf16>,
          %get3A_487 = arith.constant 0 : i32
          %get3A_488 = arith.constant 0 : i32
          %get3A_489 = tpu.memref_slice %arg8[%scan3A_256, %get3A_487, %get3A_488] : memref<3x80x128xbf16, #tpu.memory_space<vmem>> -> memref<1x80x128xbf16, #tpu.memory_space<vmem>>
          %get3A_490 = tpu.memref_squeeze %get3A_489 : memref<1x80x128xbf16, #tpu.memory_space<vmem>> -> memref<80x128xbf16, #tpu.memory_space<vmem>>
          %get3A_491 = arith.index_cast %add3A_477 : i32 to index
          %get3A_492 = arith.constant 0 : index
          %get3A_493 = tpu.vector_load %get3A_490[%get3A_491, %get3A_492] {strides = array<i32>} : memref<80x128xbf16, #tpu.memory_space<vmem>>, vector<32xbf16>,
          %mul3A_494 = arith.mulf %get3A_486, %get3A_493 : vector<32xbf16>
          %add3A_495 = arith.addf %broadcast_in_dim3A_479, %mul3A_494 : vector<32xbf16>
          %get3A_496 = arith.constant 0 : i32
          %get3A_497 = arith.constant 0 : i32
          %get3A_498 = tpu.memref_slice %arg7[%scan3A_255, %get3A_496, %get3A_497] : memref<3x80x128xbf16, #tpu.memory_space<vmem>> -> memref<1x80x128xbf16, #tpu.memory_space<vmem>>
          %get3A_499 = tpu.memref_squeeze %get3A_498 : memref<1x80x128xbf16, #tpu.memory_space<vmem>> -> memref<80x128xbf16, #tpu.memory_space<vmem>>
          %get3A_500 = arith.index_cast %add3A_477 : i32 to index
          %get3A_501 = arith.constant 32 : index
          %get3A_502 = tpu.vector_load %get3A_499[%get3A_500, %get3A_501] {strides = array<i32>} : memref<80x128xbf16, #tpu.memory_space<vmem>>, vector<32xbf16>,
          %get3A_503 = arith.constant 0 : i32
          %get3A_504 = arith.constant 0 : i32
          %get3A_505 = tpu.memref_slice %arg8[%scan3A_256, %get3A_503, %get3A_504] : memref<3x80x128xbf16, #tpu.memory_space<vmem>> -> memref<1x80x128xbf16, #tpu.memory_space<vmem>>
          %get3A_506 = tpu.memref_squeeze %get3A_505 : memref<1x80x128xbf16, #tpu.memory_space<vmem>> -> memref<80x128xbf16, #tpu.memory_space<vmem>>
          %get3A_507 = arith.index_cast %add3A_477 : i32 to index
          %get3A_508 = arith.constant 32 : index
          %get3A_509 = tpu.vector_load %get3A_506[%get3A_507, %get3A_508] {strides = array<i32>} : memref<80x128xbf16, #tpu.memory_space<vmem>>, vector<32xbf16>,
          %mul3A_510 = arith.mulf %get3A_502, %get3A_509 : vector<32xbf16>
          %add3A_511 = arith.addf %add3A_495, %mul3A_510 : vector<32xbf16>
          %get3A_512 = arith.constant 0 : i32
          %get3A_513 = arith.constant 0 : i32
          %get3A_514 = tpu.memref_slice %arg7[%scan3A_255, %get3A_512, %get3A_513] : memref<3x80x128xbf16, #tpu.memory_space<vmem>> -> memref<1x80x128xbf16, #tpu.memory_space<vmem>>
          %get3A_515 = tpu.memref_squeeze %get3A_514 : memref<1x80x128xbf16, #tpu.memory_space<vmem>> -> memref<80x128xbf16, #tpu.memory_space<vmem>>
          %get3A_516 = arith.index_cast %add3A_477 : i32 to index
          %get3A_517 = arith.constant 64 : index
          %get3A_518 = tpu.vector_load %get3A_515[%get3A_516, %get3A_517] {strides = array<i32>} : memref<80x128xbf16, #tpu.memory_space<vmem>>, vector<32xbf16>,
          %get3A_519 = arith.constant 0 : i32
          %get3A_520 = arith.constant 0 : i32
          %get3A_521 = tpu.memref_slice %arg8[%scan3A_256, %get3A_519, %get3A_520] : memref<3x80x128xbf16, #tpu.memory_space<vmem>> -> memref<1x80x128xbf16, #tpu.memory_space<vmem>>
          %get3A_522 = tpu.memref_squeeze %get3A_521 : memref<1x80x128xbf16, #tpu.memory_space<vmem>> -> memref<80x128xbf16, #tpu.memory_space<vmem>>
          %get3A_523 = arith.index_cast %add3A_477 : i32 to index
          %get3A_524 = arith.constant 64 : index
          %get3A_525 = tpu.vector_load %get3A_522[%get3A_523, %get3A_524] {strides = array<i32>} : memref<80x128xbf16, #tpu.memory_space<vmem>>, vector<32xbf16>,
          %mul3A_526 = arith.mulf %get3A_518, %get3A_525 : vector<32xbf16>
          %add3A_527 = arith.addf %add3A_511, %mul3A_526 : vector<32xbf16>
          %get3A_528 = arith.constant 0 : i32
          %get3A_529 = arith.constant 0 : i32
          %get3A_530 = tpu.memref_slice %arg7[%scan3A_255, %get3A_528, %get3A_529] : memref<3x80x128xbf16, #tpu.memory_space<vmem>> -> memref<1x80x128xbf16, #tpu.memory_space<vmem>>
          %get3A_531 = tpu.memref_squeeze %get3A_530 : memref<1x80x128xbf16, #tpu.memory_space<vmem>> -> memref<80x128xbf16, #tpu.memory_space<vmem>>
          %get3A_532 = arith.index_cast %add3A_477 : i32 to index
          %get3A_533 = arith.constant 96 : index
          %get3A_534 = tpu.vector_load %get3A_531[%get3A_532, %get3A_533] {strides = array<i32>} : memref<80x128xbf16, #tpu.memory_space<vmem>>, vector<32xbf16>,
          %get3A_535 = arith.constant 0 : i32
          %get3A_536 = arith.constant 0 : i32
          %get3A_537 = tpu.memref_slice %arg8[%scan3A_256, %get3A_535, %get3A_536] : memref<3x80x128xbf16, #tpu.memory_space<vmem>> -> memref<1x80x128xbf16, #tpu.memory_space<vmem>>
          %get3A_538 = tpu.memref_squeeze %get3A_537 : memref<1x80x128xbf16, #tpu.memory_space<vmem>> -> memref<80x128xbf16, #tpu.memory_space<vmem>>
          %get3A_539 = arith.index_cast %add3A_477 : i32 to index
          %get3A_540 = arith.constant 96 : index
          %get3A_541 = tpu.vector_load %get3A_538[%get3A_539, %get3A_540] {strides = array<i32>} : memref<80x128xbf16, #tpu.memory_space<vmem>>, vector<32xbf16>,
          %mul3A_542 = arith.mulf %get3A_534, %get3A_541 : vector<32xbf16>
          %add3A_543 = arith.addf %add3A_527, %mul3A_542 : vector<32xbf16>
          %unpack3A_544 = tpu.unpack_subelements %add3A_543, 0 {pack_format = #tpu.pack_format<interleaved>} : vector<32xbf16> -> vector<16xf32>
          %unpack3A_545 = tpu.unpack_subelements %add3A_543, 1 {pack_format = #tpu.pack_format<interleaved>} : vector<32xbf16> -> vector<16xf32>
          %mul3A_546 = arith.constant 2 : i32
          %mul3A_547 = arith.muli %mul3A_546, %scan3A_386 : i32
          %add3A_548 = arith.constant 1 : i32
          %add3A_549 = arith.addi %mul3A_547, %add3A_548 : i32
          %eq3A_550 = vector.broadcast %add3A_549 : i32 to vector<16xi32>
          %eq3A_551 = arith.cmpi eq, %iota3A, %eq3A_550 : vector<16xi32>
          %add3A_552 = arith.addf %unpack3A_544, %unpack3A_545 : vector<16xf32>
          %reduce_sum3A_553 = arith.constant true
          %reduce_sum3A_554 = vector.broadcast %reduce_sum3A_553 : i1 to vector<16xi1>
          %reduce_sum3A_555 = tpu.scan <sum>, %add3A_552 masked %reduce_sum3A_554 : vector<16xf32>, vector<16xi1> -> vector<16xf32>
          %reduce_sum3A_556 = vector.extract %reduce_sum3A_555[15] : f32 from vector<16xf32>
          %broadcast_in_dim3A_557 = vector.broadcast %reduce_sum3A_556 : f32 to vector<16xf32>
          %select_n3A_558 = arith.select %eq3A_551, %broadcast_in_dim3A_557, %select_n3A : vector<16xi1>, vector<16xf32>
          scf.yield %select_n3A_558 : vector<16xf32>
        }
        %scan3A_378 = arith.constant 8 : i32
        %mul3A_379 = arith.constant 80 : i32
        %mul3A_380 = arith.muli %add3A_226, %mul3A_379 : i32
        %mul3A_381 = arith.constant 16 : i32
        %mul3A_382 = arith.muli %scan3A_370, %mul3A_381 : i32
        %add3A_383 = arith.addi %mul3A_380, %mul3A_382 : i32
        %swap3A = arith.index_cast %add3A_383 : i32 to index
        %swap3A_384 = tpu.vector_load %arg9[%swap3A] {strides = array<i32>} : memref<10000xf32, #tpu.memory_space<vmem>>, vector<16xf32>,
        tpu.vector_store %arg9[%swap3A], %scan3A_377 {strides = array<i32>} : memref<10000xf32, #tpu.memory_space<vmem>>, vector<16xf32>,
        %scan3A_385 = arith.constant 0 : i32
        scf.yield %scan3A_385 : i32
      }
      %scan3A_263 = arith.constant 5 : i32
      %add3A_264 = arith.constant 3 : i32
      %add3A_265 = arith.addi %add3A_226, %add3A_264 : i32
      %sub3A_266 = arith.constant 1 : i32
      %sub3A_267 = arith.subi %add3A_265, %sub3A_266 : i32
      %mul3A_268 = arith.constant 80 : i32
      %mul3A_269 = arith.muli %sub3A_267, %mul3A_268 : i32
      %dma_start3A_270 = arith.constant 0 : i32
      %dma_start3A_271 = arith.constant 0 : i32
      %dma_start3A_272 = arith.constant 0 : i32
      %dma_start3A_273 = arith.constant 0 : i32
      %dma_start3A_274 = tpu.memref_slice %arg7[%dma_start3A_270, %dma_start3A_272, %dma_start3A_273] : memref<3x80x128xbf16, #tpu.memory_space<vmem>> -> memref<1x80x128xbf16, #tpu.memory_space<vmem>>
      %dma_start3A_275 = tpu.memref_squeeze %dma_start3A_274 : memref<1x80x128xbf16, #tpu.memory_space<vmem>> -> memref<80x128xbf16, #tpu.memory_space<vmem>>
      %dma_start3A_276 = tpu.memref_slice %arg5[%mul3A_269] : memref<10000xi32, #tpu.memory_space<vmem>> -> memref<80xi32, #tpu.memory_space<vmem>>
      %dma_start3A_277 = arith.constant 0 : i32
      %dma_start3A_278 = arith.constant 0 : i32
      %dma_start3A_279 = tpu.memref_slice %arg2[%dma_start3A_277, %dma_start3A_278] : memref<10000x128xbf16, #tpu.memory_space<hbm>> -> memref<10000x128xbf16, #tpu.memory_space<hbm>>
      %dma_start3A_280 = tpu.memref_slice %arg10[%dma_start3A_271] : memref<3x!tpu.dma_semaphore, #tpu.memory_space<semaphore_mem>> -> memref<1x!tpu.dma_semaphore, #tpu.memory_space<semaphore_mem>>
      %dma_start3A_281 = tpu.memref_squeeze %dma_start3A_280 : memref<1x!tpu.dma_semaphore, #tpu.memory_space<semaphore_mem>> -> memref<!tpu.dma_semaphore, #tpu.memory_space<semaphore_mem>>
      tpu.enqueue_indirect_dma source(%dma_start3A_279 : memref<10000x128xbf16, #tpu.memory_space<hbm>>) target(%dma_start3A_275 : memref<80x128xbf16, #tpu.memory_space<vmem>>) offsets(%dma_start3A_276 : memref<80xi32, #tpu.memory_space<vmem>>) semaphore(%dma_start3A_281 : memref<!tpu.dma_semaphore, #tpu.memory_space<semaphore_mem>>)
      %mul3A_282 = arith.constant 80 : i32
      %mul3A_283 = arith.muli %sub3A_267, %mul3A_282 : i32
      %dma_start3A_284 = arith.constant 0 : i32
      %dma_start3A_285 = arith.constant 0 : i32
      %dma_start3A_286 = arith.constant 0 : i32
      %dma_start3A_287 = arith.constant 0 : i32
      %dma_start3A_288 = tpu.memref_slice %arg8[%dma_start3A_284, %dma_start3A_286, %dma_start3A_287] : memref<3x80x128xbf16, #tpu.memory_space<vmem>> -> memref<1x80x128xbf16, #tpu.memory_space<vmem>>
      %dma_start3A_289 = tpu.memref_squeeze %dma_start3A_288 : memref<1x80x128xbf16, #tpu.memory_space<vmem>> -> memref<80x128xbf16, #tpu.memory_space<vmem>>
      %dma_start3A_290 = tpu.memref_slice %arg6[%mul3A_283] : memref<10000xi32, #tpu.memory_space<vmem>> -> memref<80xi32, #tpu.memory_space<vmem>>
      %dma_start3A_291 = arith.constant 0 : i32
      %dma_start3A_292 = arith.constant 0 : i32
      %dma_start3A_293 = tpu.memref_slice %arg2[%dma_start3A_291, %dma_start3A_292] : memref<10000x128xbf16, #tpu.memory_space<hbm>> -> memref<10000x128xbf16, #tpu.memory_space<hbm>>
      %dma_start3A_294 = tpu.memref_slice %arg10[%dma_start3A_285] : memref<3x!tpu.dma_semaphore, #tpu.memory_space<semaphore_mem>> -> memref<1x!tpu.dma_semaphore, #tpu.memory_space<semaphore_mem>>
      %dma_start3A_295 = tpu.memref_squeeze %dma_start3A_294 : memref<1x!tpu.dma_semaphore, #tpu.memory_space<semaphore_mem>> -> memref<!tpu.dma_semaphore, #tpu.memory_space<semaphore_mem>>
      tpu.enqueue_indirect_dma source(%dma_start3A_293 : memref<10000x128xbf16, #tpu.memory_space<hbm>>) target(%dma_start3A_289 : memref<80x128xbf16, #tpu.memory_space<vmem>>) offsets(%dma_start3A_290 : memref<80xi32, #tpu.memory_space<vmem>>) semaphore(%dma_start3A_295 : memref<!tpu.dma_semaphore, #tpu.memory_space<semaphore_mem>>)
      %mul3A_296 = arith.constant 3 : i32
      %mul3A_297 = arith.muli %mul3A_296, %scan3A_149 : i32
      %add3A_298 = arith.constant 2 : i32
      %add3A_299 = arith.addi %mul3A_297, %add3A_298 : i32
      %mul3A_300 = arith.constant 80 : i32
      %mul3A_301 = arith.muli %add3A_299, %mul3A_300 : i32
      %dma_wait3A_302 = arith.constant 2 : i32
      %dma_wait3A_303 = arith.constant 2 : i32
      %dma_wait3A_304 = arith.constant 0 : i32
      %dma_wait3A_305 = arith.constant 0 : i32
      %dma_wait3A_306 = tpu.memref_slice %arg7[%dma_wait3A_302, %dma_wait3A_304, %dma_wait3A_305] : memref<3x80x128xbf16, #tpu.memory_space<vmem>> -> memref<1x80x128xbf16, #tpu.memory_space<vmem>>
      %dma_wait3A_307 = tpu.memref_squeeze %dma_wait3A_306 : memref<1x80x128xbf16, #tpu.memory_space<vmem>> -> memref<80x128xbf16, #tpu.memory_space<vmem>>
      %dma_wait3A_308 = tpu.memref_slice %arg5[%mul3A_301] : memref<10000xi32, #tpu.memory_space<vmem>> -> memref<80xi32, #tpu.memory_space<vmem>>
      %dma_wait3A_309 = arith.constant 0 : i32
      %dma_wait3A_310 = arith.constant 0 : i32
      %dma_wait3A_311 = tpu.memref_slice %arg2[%dma_wait3A_309, %dma_wait3A_310] : memref<10000x128xbf16, #tpu.memory_space<hbm>> -> memref<10000x128xbf16, #tpu.memory_space<hbm>>
      %dma_wait3A_312 = tpu.memref_slice %arg10[%dma_wait3A_303] : memref<3x!tpu.dma_semaphore, #tpu.memory_space<semaphore_mem>> -> memref<1x!tpu.dma_semaphore, #tpu.memory_space<semaphore_mem>>
      %dma_wait3A_313 = tpu.memref_squeeze %dma_wait3A_312 : memref<1x!tpu.dma_semaphore, #tpu.memory_space<semaphore_mem>> -> memref<!tpu.dma_semaphore, #tpu.memory_space<semaphore_mem>>
      tpu.wait_indirect_dma semaphore(%dma_wait3A_313 : memref<!tpu.dma_semaphore, #tpu.memory_space<semaphore_mem>>) src(%dma_wait3A_311 : memref<10000x128xbf16, #tpu.memory_space<hbm>>) dst(%dma_wait3A_307 : memref<80x128xbf16, #tpu.memory_space<vmem>>)
      %mul3A_314 = arith.constant 80 : i32
      %mul3A_315 = arith.muli %add3A_299, %mul3A_314 : i32
      %dma_wait3A_316 = arith.constant 2 : i32
      %dma_wait3A_317 = arith.constant 2 : i32
      %dma_wait3A_318 = arith.constant 0 : i32
      %dma_wait3A_319 = arith.constant 0 : i32
      %dma_wait3A_320 = tpu.memref_slice %arg8[%dma_wait3A_316, %dma_wait3A_318, %dma_wait3A_319] : memref<3x80x128xbf16, #tpu.memory_space<vmem>> -> memref<1x80x128xbf16, #tpu.memory_space<vmem>>
      %dma_wait3A_321 = tpu.memref_squeeze %dma_wait3A_320 : memref<1x80x128xbf16, #tpu.memory_space<vmem>> -> memref<80x128xbf16, #tpu.memory_space<vmem>>
      %dma_wait3A_322 = tpu.memref_slice %arg6[%mul3A_315] : memref<10000xi32, #tpu.memory_space<vmem>> -> memref<80xi32, #tpu.memory_space<vmem>>
      %dma_wait3A_323 = arith.constant 0 : i32
      %dma_wait3A_324 = arith.constant 0 : i32
      %dma_wait3A_325 = tpu.memref_slice %arg2[%dma_wait3A_323, %dma_wait3A_324] : memref<10000x128xbf16, #tpu.memory_space<hbm>> -> memref<10000x128xbf16, #tpu.memory_space<hbm>>
      %dma_wait3A_326 = tpu.memref_slice %arg10[%dma_wait3A_317] : memref<3x!tpu.dma_semaphore, #tpu.memory_space<semaphore_mem>> -> memref<1x!tpu.dma_semaphore, #tpu.memory_space<semaphore_mem>>
      %dma_wait3A_327 = tpu.memref_squeeze %dma_wait3A_326 : memref<1x!tpu.dma_semaphore, #tpu.memory_space<semaphore_mem>> -> memref<!tpu.dma_semaphore, #tpu.memory_space<semaphore_mem>>
      tpu.wait_indirect_dma semaphore(%dma_wait3A_327 : memref<!tpu.dma_semaphore, #tpu.memory_space<semaphore_mem>>) src(%dma_wait3A_325 : memref<10000x128xbf16, #tpu.memory_space<hbm>>) dst(%dma_wait3A_321 : memref<80x128xbf16, #tpu.memory_space<vmem>>)
      %scan3A_328 = arith.constant 2 : i32
      %scan3A_329 = arith.constant 2 : i32
      %scan3A_330 = arith.constant 0 : i32
      %scan3A_331 = arith.constant 0 : i32
      %scan3A_332 = arith.constant 5 : i32
      %scan3A_333 = arith.addi %scan3A_331, %scan3A_332 : i32
      %scan3A_334 = arith.constant 1 : i32
      %scan3A_335 = scf.for %scan3A_370 = %scan3A_331 to %scan3A_333 step %scan3A_334 iter_args(%scan3A_371 = %scan3A_330) -> (i32)  : i32 {
        %broadcast_in_dim3A = arith.constant 0.000000e+00 : f32
        %broadcast_in_dim3A_372 = vector.broadcast %broadcast_in_dim3A : f32 to vector<16xf32>
        %scan3A_373 = arith.constant 0 : i32
        %scan3A_374 = arith.constant 8 : i32
        %scan3A_375 = arith.addi %scan3A_373, %scan3A_374 : i32
        %scan3A_376 = arith.constant 1 : i32
        %scan3A_377 = scf.for %scan3A_386 = %scan3A_373 to %scan3A_375 step %scan3A_376 iter_args(%scan3A_387 = %broadcast_in_dim3A_372) -> (vector<16xf32>)  : i32 {
          %mul3A_388 = arith.constant 16 : i32
          %mul3A_389 = arith.muli %scan3A_370, %mul3A_388 : i32
          %mul3A_390 = arith.constant 2 : i32
          %mul3A_391 = arith.muli %mul3A_390, %scan3A_386 : i32
          %add3A_392 = arith.addi %mul3A_389, %mul3A_391 : i32
          %add3A_393 = arith.constant 0 : i32
          %add3A_394 = arith.addi %add3A_392, %add3A_393 : i32
          %broadcast_in_dim3A_395 = arith.constant 0.000000e+00 : bf16
          %broadcast_in_dim3A_396 = vector.broadcast %broadcast_in_dim3A_395 : bf16 to vector<32xbf16>
          %get3A = arith.constant 0 : i32
          %get3A_397 = arith.constant 0 : i32
          %get3A_398 = tpu.memref_slice %arg7[%scan3A_328, %get3A, %get3A_397] : memref<3x80x128xbf16, #tpu.memory_space<vmem>> -> memref<1x80x128xbf16, #tpu.memory_space<vmem>>
          %get3A_399 = tpu.memref_squeeze %get3A_398 : memref<1x80x128xbf16, #tpu.memory_space<vmem>> -> memref<80x128xbf16, #tpu.memory_space<vmem>>
          %get3A_400 = arith.index_cast %add3A_394 : i32 to index
          %get3A_401 = arith.constant 0 : index
          %get3A_402 = tpu.vector_load %get3A_399[%get3A_400, %get3A_401] {strides = array<i32>} : memref<80x128xbf16, #tpu.memory_space<vmem>>, vector<32xbf16>,
          %get3A_403 = arith.constant 0 : i32
          %get3A_404 = arith.constant 0 : i32
          %get3A_405 = tpu.memref_slice %arg8[%scan3A_329, %get3A_403, %get3A_404] : memref<3x80x128xbf16, #tpu.memory_space<vmem>> -> memref<1x80x128xbf16, #tpu.memory_space<vmem>>
          %get3A_406 = tpu.memref_squeeze %get3A_405 : memref<1x80x128xbf16, #tpu.memory_space<vmem>> -> memref<80x128xbf16, #tpu.memory_space<vmem>>
          %get3A_407 = arith.index_cast %add3A_394 : i32 to index
          %get3A_408 = arith.constant 0 : index
          %get3A_409 = tpu.vector_load %get3A_406[%get3A_407, %get3A_408] {strides = array<i32>} : memref<80x128xbf16, #tpu.memory_space<vmem>>, vector<32xbf16>,
          %mul3A_410 = arith.mulf %get3A_402, %get3A_409 : vector<32xbf16>
          %add3A_411 = arith.addf %broadcast_in_dim3A_396, %mul3A_410 : vector<32xbf16>
          %get3A_412 = arith.constant 0 : i32
          %get3A_413 = arith.constant 0 : i32
          %get3A_414 = tpu.memref_slice %arg7[%scan3A_328, %get3A_412, %get3A_413] : memref<3x80x128xbf16, #tpu.memory_space<vmem>> -> memref<1x80x128xbf16, #tpu.memory_space<vmem>>
          %get3A_415 = tpu.memref_squeeze %get3A_414 : memref<1x80x128xbf16, #tpu.memory_space<vmem>> -> memref<80x128xbf16, #tpu.memory_space<vmem>>
          %get3A_416 = arith.index_cast %add3A_394 : i32 to index
          %get3A_417 = arith.constant 32 : index
          %get3A_418 = tpu.vector_load %get3A_415[%get3A_416, %get3A_417] {strides = array<i32>} : memref<80x128xbf16, #tpu.memory_space<vmem>>, vector<32xbf16>,
          %get3A_419 = arith.constant 0 : i32
          %get3A_420 = arith.constant 0 : i32
          %get3A_421 = tpu.memref_slice %arg8[%scan3A_329, %get3A_419, %get3A_420] : memref<3x80x128xbf16, #tpu.memory_space<vmem>> -> memref<1x80x128xbf16, #tpu.memory_space<vmem>>
          %get3A_422 = tpu.memref_squeeze %get3A_421 : memref<1x80x128xbf16, #tpu.memory_space<vmem>> -> memref<80x128xbf16, #tpu.memory_space<vmem>>
          %get3A_423 = arith.index_cast %add3A_394 : i32 to index
          %get3A_424 = arith.constant 32 : index
          %get3A_425 = tpu.vector_load %get3A_422[%get3A_423, %get3A_424] {strides = array<i32>} : memref<80x128xbf16, #tpu.memory_space<vmem>>, vector<32xbf16>,
          %mul3A_426 = arith.mulf %get3A_418, %get3A_425 : vector<32xbf16>
          %add3A_427 = arith.addf %add3A_411, %mul3A_426 : vector<32xbf16>
          %get3A_428 = arith.constant 0 : i32
          %get3A_429 = arith.constant 0 : i32
          %get3A_430 = tpu.memref_slice %arg7[%scan3A_328, %get3A_428, %get3A_429] : memref<3x80x128xbf16, #tpu.memory_space<vmem>> -> memref<1x80x128xbf16, #tpu.memory_space<vmem>>
          %get3A_431 = tpu.memref_squeeze %get3A_430 : memref<1x80x128xbf16, #tpu.memory_space<vmem>> -> memref<80x128xbf16, #tpu.memory_space<vmem>>
          %get3A_432 = arith.index_cast %add3A_394 : i32 to index
          %get3A_433 = arith.constant 64 : index
          %get3A_434 = tpu.vector_load %get3A_431[%get3A_432, %get3A_433] {strides = array<i32>} : memref<80x128xbf16, #tpu.memory_space<vmem>>, vector<32xbf16>,
          %get3A_435 = arith.constant 0 : i32
          %get3A_436 = arith.constant 0 : i32
          %get3A_437 = tpu.memref_slice %arg8[%scan3A_329, %get3A_435, %get3A_436] : memref<3x80x128xbf16, #tpu.memory_space<vmem>> -> memref<1x80x128xbf16, #tpu.memory_space<vmem>>
          %get3A_438 = tpu.memref_squeeze %get3A_437 : memref<1x80x128xbf16, #tpu.memory_space<vmem>> -> memref<80x128xbf16, #tpu.memory_space<vmem>>
          %get3A_439 = arith.index_cast %add3A_394 : i32 to index
          %get3A_440 = arith.constant 64 : index
          %get3A_441 = tpu.vector_load %get3A_438[%get3A_439, %get3A_440] {strides = array<i32>} : memref<80x128xbf16, #tpu.memory_space<vmem>>, vector<32xbf16>,
          %mul3A_442 = arith.mulf %get3A_434, %get3A_441 : vector<32xbf16>
          %add3A_443 = arith.addf %add3A_427, %mul3A_442 : vector<32xbf16>
          %get3A_444 = arith.constant 0 : i32
          %get3A_445 = arith.constant 0 : i32
          %get3A_446 = tpu.memref_slice %arg7[%scan3A_328, %get3A_444, %get3A_445] : memref<3x80x128xbf16, #tpu.memory_space<vmem>> -> memref<1x80x128xbf16, #tpu.memory_space<vmem>>
          %get3A_447 = tpu.memref_squeeze %get3A_446 : memref<1x80x128xbf16, #tpu.memory_space<vmem>> -> memref<80x128xbf16, #tpu.memory_space<vmem>>
          %get3A_448 = arith.index_cast %add3A_394 : i32 to index
          %get3A_449 = arith.constant 96 : index
          %get3A_450 = tpu.vector_load %get3A_447[%get3A_448, %get3A_449] {strides = array<i32>} : memref<80x128xbf16, #tpu.memory_space<vmem>>, vector<32xbf16>,
          %get3A_451 = arith.constant 0 : i32
          %get3A_452 = arith.constant 0 : i32
          %get3A_453 = tpu.memref_slice %arg8[%scan3A_329, %get3A_451, %get3A_452] : memref<3x80x128xbf16, #tpu.memory_space<vmem>> -> memref<1x80x128xbf16, #tpu.memory_space<vmem>>
          %get3A_454 = tpu.memref_squeeze %get3A_453 : memref<1x80x128xbf16, #tpu.memory_space<vmem>> -> memref<80x128xbf16, #tpu.memory_space<vmem>>
          %get3A_455 = arith.index_cast %add3A_394 : i32 to index
          %get3A_456 = arith.constant 96 : index
          %get3A_457 = tpu.vector_load %get3A_454[%get3A_455, %get3A_456] {strides = array<i32>} : memref<80x128xbf16, #tpu.memory_space<vmem>>, vector<32xbf16>,
          %mul3A_458 = arith.mulf %get3A_450, %get3A_457 : vector<32xbf16>
          %add3A_459 = arith.addf %add3A_443, %mul3A_458 : vector<32xbf16>
          %unpack3A = tpu.unpack_subelements %add3A_459, 0 {pack_format = #tpu.pack_format<interleaved>} : vector<32xbf16> -> vector<16xf32>
          %unpack3A_460 = tpu.unpack_subelements %add3A_459, 1 {pack_format = #tpu.pack_format<interleaved>} : vector<32xbf16> -> vector<16xf32>
          %mul3A_461 = arith.constant 2 : i32
          %mul3A_462 = arith.muli %mul3A_461, %scan3A_386 : i32
          %add3A_463 = arith.constant 0 : i32
          %add3A_464 = arith.addi %mul3A_462, %add3A_463 : i32
          %eq3A = vector.broadcast %add3A_464 : i32 to vector<16xi32>
          %eq3A_465 = arith.cmpi eq, %iota3A, %eq3A : vector<16xi32>
          %add3A_466 = arith.addf %unpack3A, %unpack3A_460 : vector<16xf32>
          %reduce_sum3A = arith.constant true
          %reduce_sum3A_467 = vector.broadcast %reduce_sum3A : i1 to vector<16xi1>
          %reduce_sum3A_468 = tpu.scan <sum>, %add3A_466 masked %reduce_sum3A_467 : vector<16xf32>, vector<16xi1> -> vector<16xf32>
          %reduce_sum3A_469 = vector.extract %reduce_sum3A_468[15] : f32 from vector<16xf32>
          %broadcast_in_dim3A_470 = vector.broadcast %reduce_sum3A_469 : f32 to vector<16xf32>
          %select_n3A = arith.select %eq3A_465, %broadcast_in_dim3A_470, %scan3A_387 : vector<16xi1>, vector<16xf32>
          %mul3A_471 = arith.constant 16 : i32
          %mul3A_472 = arith.muli %scan3A_370, %mul3A_471 : i32
          %mul3A_473 = arith.constant 2 : i32
          %mul3A_474 = arith.muli %mul3A_473, %scan3A_386 : i32
          %add3A_475 = arith.addi %mul3A_472, %mul3A_474 : i32
          %add3A_476 = arith.constant 1 : i32
          %add3A_477 = arith.addi %add3A_475, %add3A_476 : i32
          %broadcast_in_dim3A_478 = arith.constant 0.000000e+00 : bf16
          %broadcast_in_dim3A_479 = vector.broadcast %broadcast_in_dim3A_478 : bf16 to vector<32xbf16>
          %get3A_480 = arith.constant 0 : i32
          %get3A_481 = arith.constant 0 : i32
          %get3A_482 = tpu.memref_slice %arg7[%scan3A_328, %get3A_480, %get3A_481] : memref<3x80x128xbf16, #tpu.memory_space<vmem>> -> memref<1x80x128xbf16, #tpu.memory_space<vmem>>
          %get3A_483 = tpu.memref_squeeze %get3A_482 : memref<1x80x128xbf16, #tpu.memory_space<vmem>> -> memref<80x128xbf16, #tpu.memory_space<vmem>>
          %get3A_484 = arith.index_cast %add3A_477 : i32 to index
          %get3A_485 = arith.constant 0 : index
          %get3A_486 = tpu.vector_load %get3A_483[%get3A_484, %get3A_485] {strides = array<i32>} : memref<80x128xbf16, #tpu.memory_space<vmem>>, vector<32xbf16>,
          %get3A_487 = arith.constant 0 : i32
          %get3A_488 = arith.constant 0 : i32
          %get3A_489 = tpu.memref_slice %arg8[%scan3A_329, %get3A_487, %get3A_488] : memref<3x80x128xbf16, #tpu.memory_space<vmem>> -> memref<1x80x128xbf16, #tpu.memory_space<vmem>>
          %get3A_490 = tpu.memref_squeeze %get3A_489 : memref<1x80x128xbf16, #tpu.memory_space<vmem>> -> memref<80x128xbf16, #tpu.memory_space<vmem>>
          %get3A_491 = arith.index_cast %add3A_477 : i32 to index
          %get3A_492 = arith.constant 0 : index
          %get3A_493 = tpu.vector_load %get3A_490[%get3A_491, %get3A_492] {strides = array<i32>} : memref<80x128xbf16, #tpu.memory_space<vmem>>, vector<32xbf16>,
          %mul3A_494 = arith.mulf %get3A_486, %get3A_493 : vector<32xbf16>
          %add3A_495 = arith.addf %broadcast_in_dim3A_479, %mul3A_494 : vector<32xbf16>
          %get3A_496 = arith.constant 0 : i32
          %get3A_497 = arith.constant 0 : i32
          %get3A_498 = tpu.memref_slice %arg7[%scan3A_328, %get3A_496, %get3A_497] : memref<3x80x128xbf16, #tpu.memory_space<vmem>> -> memref<1x80x128xbf16, #tpu.memory_space<vmem>>
          %get3A_499 = tpu.memref_squeeze %get3A_498 : memref<1x80x128xbf16, #tpu.memory_space<vmem>> -> memref<80x128xbf16, #tpu.memory_space<vmem>>
          %get3A_500 = arith.index_cast %add3A_477 : i32 to index
          %get3A_501 = arith.constant 32 : index
          %get3A_502 = tpu.vector_load %get3A_499[%get3A_500, %get3A_501] {strides = array<i32>} : memref<80x128xbf16, #tpu.memory_space<vmem>>, vector<32xbf16>,
          %get3A_503 = arith.constant 0 : i32
          %get3A_504 = arith.constant 0 : i32
          %get3A_505 = tpu.memref_slice %arg8[%scan3A_329, %get3A_503, %get3A_504] : memref<3x80x128xbf16, #tpu.memory_space<vmem>> -> memref<1x80x128xbf16, #tpu.memory_space<vmem>>
          %get3A_506 = tpu.memref_squeeze %get3A_505 : memref<1x80x128xbf16, #tpu.memory_space<vmem>> -> memref<80x128xbf16, #tpu.memory_space<vmem>>
          %get3A_507 = arith.index_cast %add3A_477 : i32 to index
          %get3A_508 = arith.constant 32 : index
          %get3A_509 = tpu.vector_load %get3A_506[%get3A_507, %get3A_508] {strides = array<i32>} : memref<80x128xbf16, #tpu.memory_space<vmem>>, vector<32xbf16>,
          %mul3A_510 = arith.mulf %get3A_502, %get3A_509 : vector<32xbf16>
          %add3A_511 = arith.addf %add3A_495, %mul3A_510 : vector<32xbf16>
          %get3A_512 = arith.constant 0 : i32
          %get3A_513 = arith.constant 0 : i32
          %get3A_514 = tpu.memref_slice %arg7[%scan3A_328, %get3A_512, %get3A_513] : memref<3x80x128xbf16, #tpu.memory_space<vmem>> -> memref<1x80x128xbf16, #tpu.memory_space<vmem>>
          %get3A_515 = tpu.memref_squeeze %get3A_514 : memref<1x80x128xbf16, #tpu.memory_space<vmem>> -> memref<80x128xbf16, #tpu.memory_space<vmem>>
          %get3A_516 = arith.index_cast %add3A_477 : i32 to index
          %get3A_517 = arith.constant 64 : index
          %get3A_518 = tpu.vector_load %get3A_515[%get3A_516, %get3A_517] {strides = array<i32>} : memref<80x128xbf16, #tpu.memory_space<vmem>>, vector<32xbf16>,
          %get3A_519 = arith.constant 0 : i32
          %get3A_520 = arith.constant 0 : i32
          %get3A_521 = tpu.memref_slice %arg8[%scan3A_329, %get3A_519, %get3A_520] : memref<3x80x128xbf16, #tpu.memory_space<vmem>> -> memref<1x80x128xbf16, #tpu.memory_space<vmem>>
          %get3A_522 = tpu.memref_squeeze %get3A_521 : memref<1x80x128xbf16, #tpu.memory_space<vmem>> -> memref<80x128xbf16, #tpu.memory_space<vmem>>
          %get3A_523 = arith.index_cast %add3A_477 : i32 to index
          %get3A_524 = arith.constant 64 : index
          %get3A_525 = tpu.vector_load %get3A_522[%get3A_523, %get3A_524] {strides = array<i32>} : memref<80x128xbf16, #tpu.memory_space<vmem>>, vector<32xbf16>,
          %mul3A_526 = arith.mulf %get3A_518, %get3A_525 : vector<32xbf16>
          %add3A_527 = arith.addf %add3A_511, %mul3A_526 : vector<32xbf16>
          %get3A_528 = arith.constant 0 : i32
          %get3A_529 = arith.constant 0 : i32
          %get3A_530 = tpu.memref_slice %arg7[%scan3A_328, %get3A_528, %get3A_529] : memref<3x80x128xbf16, #tpu.memory_space<vmem>> -> memref<1x80x128xbf16, #tpu.memory_space<vmem>>
          %get3A_531 = tpu.memref_squeeze %get3A_530 : memref<1x80x128xbf16, #tpu.memory_space<vmem>> -> memref<80x128xbf16, #tpu.memory_space<vmem>>
          %get3A_532 = arith.index_cast %add3A_477 : i32 to index
          %get3A_533 = arith.constant 96 : index
          %get3A_534 = tpu.vector_load %get3A_531[%get3A_532, %get3A_533] {strides = array<i32>} : memref<80x128xbf16, #tpu.memory_space<vmem>>, vector<32xbf16>,
          %get3A_535 = arith.constant 0 : i32
          %get3A_536 = arith.constant 0 : i32
          %get3A_537 = tpu.memref_slice %arg8[%scan3A_329, %get3A_535, %get3A_536] : memref<3x80x128xbf16, #tpu.memory_space<vmem>> -> memref<1x80x128xbf16, #tpu.memory_space<vmem>>
          %get3A_538 = tpu.memref_squeeze %get3A_537 : memref<1x80x128xbf16, #tpu.memory_space<vmem>> -> memref<80x128xbf16, #tpu.memory_space<vmem>>
          %get3A_539 = arith.index_cast %add3A_477 : i32 to index
          %get3A_540 = arith.constant 96 : index
          %get3A_541 = tpu.vector_load %get3A_538[%get3A_539, %get3A_540] {strides = array<i32>} : memref<80x128xbf16, #tpu.memory_space<vmem>>, vector<32xbf16>,
          %mul3A_542 = arith.mulf %get3A_534, %get3A_541 : vector<32xbf16>
          %add3A_543 = arith.addf %add3A_527, %mul3A_542 : vector<32xbf16>
          %unpack3A_544 = tpu.unpack_subelements %add3A_543, 0 {pack_format = #tpu.pack_format<interleaved>} : vector<32xbf16> -> vector<16xf32>
          %unpack3A_545 = tpu.unpack_subelements %add3A_543, 1 {pack_format = #tpu.pack_format<interleaved>} : vector<32xbf16> -> vector<16xf32>
          %mul3A_546 = arith.constant 2 : i32
          %mul3A_547 = arith.muli %mul3A_546, %scan3A_386 : i32
          %add3A_548 = arith.constant 1 : i32
          %add3A_549 = arith.addi %mul3A_547, %add3A_548 : i32
          %eq3A_550 = vector.broadcast %add3A_549 : i32 to vector<16xi32>
          %eq3A_551 = arith.cmpi eq, %iota3A, %eq3A_550 : vector<16xi32>
          %add3A_552 = arith.addf %unpack3A_544, %unpack3A_545 : vector<16xf32>
          %reduce_sum3A_553 = arith.constant true
          %reduce_sum3A_554 = vector.broadcast %reduce_sum3A_553 : i1 to vector<16xi1>
          %reduce_sum3A_555 = tpu.scan <sum>, %add3A_552 masked %reduce_sum3A_554 : vector<16xf32>, vector<16xi1> -> vector<16xf32>
          %reduce_sum3A_556 = vector.extract %reduce_sum3A_555[15] : f32 from vector<16xf32>
          %broadcast_in_dim3A_557 = vector.broadcast %reduce_sum3A_556 : f32 to vector<16xf32>
          %select_n3A_558 = arith.select %eq3A_551, %broadcast_in_dim3A_557, %select_n3A : vector<16xi1>, vector<16xf32>
          scf.yield %select_n3A_558 : vector<16xf32>
        }
        %scan3A_378 = arith.constant 8 : i32
        %mul3A_379 = arith.constant 80 : i32
        %mul3A_380 = arith.muli %add3A_299, %mul3A_379 : i32
        %mul3A_381 = arith.constant 16 : i32
        %mul3A_382 = arith.muli %scan3A_370, %mul3A_381 : i32
        %add3A_383 = arith.addi %mul3A_380, %mul3A_382 : i32
        %swap3A = arith.index_cast %add3A_383 : i32 to index
        %swap3A_384 = tpu.vector_load %arg9[%swap3A] {strides = array<i32>} : memref<10000xf32, #tpu.memory_space<vmem>>, vector<16xf32>,
        tpu.vector_store %arg9[%swap3A], %scan3A_377 {strides = array<i32>} : memref<10000xf32, #tpu.memory_space<vmem>>, vector<16xf32>,
        %scan3A_385 = arith.constant 0 : i32
        scf.yield %scan3A_385 : i32
      }
      %scan3A_336 = arith.constant 5 : i32
      %add3A_337 = arith.constant 3 : i32
      %add3A_338 = arith.addi %add3A_299, %add3A_337 : i32
      %sub3A_339 = arith.constant 1 : i32
      %sub3A_340 = arith.subi %add3A_338, %sub3A_339 : i32
      %mul3A_341 = arith.constant 80 : i32
      %mul3A_342 = arith.muli %sub3A_340, %mul3A_341 : i32
      %dma_start3A_343 = arith.constant 1 : i32
      %dma_start3A_344 = arith.constant 1 : i32
      %dma_start3A_345 = arith.constant 0 : i32
      %dma_start3A_346 = arith.constant 0 : i32
      %dma_start3A_347 = tpu.memref_slice %arg7[%dma_start3A_343, %dma_start3A_345, %dma_start3A_346] : memref<3x80x128xbf16, #tpu.memory_space<vmem>> -> memref<1x80x128xbf16, #tpu.memory_space<vmem>>
      %dma_start3A_348 = tpu.memref_squeeze %dma_start3A_347 : memref<1x80x128xbf16, #tpu.memory_space<vmem>> -> memref<80x128xbf16, #tpu.memory_space<vmem>>
      %dma_start3A_349 = tpu.memref_slice %arg5[%mul3A_342] : memref<10000xi32, #tpu.memory_space<vmem>> -> memref<80xi32, #tpu.memory_space<vmem>>
      %dma_start3A_350 = arith.constant 0 : i32
      %dma_start3A_351 = arith.constant 0 : i32
      %dma_start3A_352 = tpu.memref_slice %arg2[%dma_start3A_350, %dma_start3A_351] : memref<10000x128xbf16, #tpu.memory_space<hbm>> -> memref<10000x128xbf16, #tpu.memory_space<hbm>>
      %dma_start3A_353 = tpu.memref_slice %arg10[%dma_start3A_344] : memref<3x!tpu.dma_semaphore, #tpu.memory_space<semaphore_mem>> -> memref<1x!tpu.dma_semaphore, #tpu.memory_space<semaphore_mem>>
      %dma_start3A_354 = tpu.memref_squeeze %dma_start3A_353 : memref<1x!tpu.dma_semaphore, #tpu.memory_space<semaphore_mem>> -> memref<!tpu.dma_semaphore, #tpu.memory_space<semaphore_mem>>
      tpu.enqueue_indirect_dma source(%dma_start3A_352 : memref<10000x128xbf16, #tpu.memory_space<hbm>>) target(%dma_start3A_348 : memref<80x128xbf16, #tpu.memory_space<vmem>>) offsets(%dma_start3A_349 : memref<80xi32, #tpu.memory_space<vmem>>) semaphore(%dma_start3A_354 : memref<!tpu.dma_semaphore, #tpu.memory_space<semaphore_mem>>)
      %mul3A_355 = arith.constant 80 : i32
      %mul3A_356 = arith.muli %sub3A_340, %mul3A_355 : i32
      %dma_start3A_357 = arith.constant 1 : i32
      %dma_start3A_358 = arith.constant 1 : i32
      %dma_start3A_359 = arith.constant 0 : i32
      %dma_start3A_360 = arith.constant 0 : i32
      %dma_start3A_361 = tpu.memref_slice %arg8[%dma_start3A_357, %dma_start3A_359, %dma_start3A_360] : memref<3x80x128xbf16, #tpu.memory_space<vmem>> -> memref<1x80x128xbf16, #tpu.memory_space<vmem>>
      %dma_start3A_362 = tpu.memref_squeeze %dma_start3A_361 : memref<1x80x128xbf16, #tpu.memory_space<vmem>> -> memref<80x128xbf16, #tpu.memory_space<vmem>>
      %dma_start3A_363 = tpu.memref_slice %arg6[%mul3A_356] : memref<10000xi32, #tpu.memory_space<vmem>> -> memref<80xi32, #tpu.memory_space<vmem>>
      %dma_start3A_364 = arith.constant 0 : i32
      %dma_start3A_365 = arith.constant 0 : i32
      %dma_start3A_366 = tpu.memref_slice %arg2[%dma_start3A_364, %dma_start3A_365] : memref<10000x128xbf16, #tpu.memory_space<hbm>> -> memref<10000x128xbf16, #tpu.memory_space<hbm>>
      %dma_start3A_367 = tpu.memref_slice %arg10[%dma_start3A_358] : memref<3x!tpu.dma_semaphore, #tpu.memory_space<semaphore_mem>> -> memref<1x!tpu.dma_semaphore, #tpu.memory_space<semaphore_mem>>
      %dma_start3A_368 = tpu.memref_squeeze %dma_start3A_367 : memref<1x!tpu.dma_semaphore, #tpu.memory_space<semaphore_mem>> -> memref<!tpu.dma_semaphore, #tpu.memory_space<semaphore_mem>>
      tpu.enqueue_indirect_dma source(%dma_start3A_366 : memref<10000x128xbf16, #tpu.memory_space<hbm>>) target(%dma_start3A_362 : memref<80x128xbf16, #tpu.memory_space<vmem>>) offsets(%dma_start3A_363 : memref<80xi32, #tpu.memory_space<vmem>>) semaphore(%dma_start3A_368 : memref<!tpu.dma_semaphore, #tpu.memory_space<semaphore_mem>>)
      %scan3A_369 = arith.constant 0 : i32
      scf.yield %scan3A_369 : i32
    }
    %scan3A_78 = arith.constant 41 : i32
    %dma_wait3A_79 = arith.constant 0 : i32
    %dma_wait3A_80 = arith.constant 0 : i32
    %dma_wait3A_81 = arith.constant 0 : i32
    %dma_wait3A_82 = arith.constant 0 : i32
    %dma_wait3A_83 = tpu.memref_slice %arg7[%dma_wait3A_79, %dma_wait3A_81, %dma_wait3A_82] : memref<3x80x128xbf16, #tpu.memory_space<vmem>> -> memref<1x80x128xbf16, #tpu.memory_space<vmem>>
    %dma_wait3A_84 = tpu.memref_squeeze %dma_wait3A_83 : memref<1x80x128xbf16, #tpu.memory_space<vmem>> -> memref<80x128xbf16, #tpu.memory_space<vmem>>
    %dma_wait3A_85 = arith.constant 9840 : i32
    %dma_wait3A_86 = tpu.memref_slice %arg5[%dma_wait3A_85] : memref<10000xi32, #tpu.memory_space<vmem>> -> memref<80xi32, #tpu.memory_space<vmem>>
    %dma_wait3A_87 = arith.constant 0 : i32
    %dma_wait3A_88 = arith.constant 0 : i32
    %dma_wait3A_89 = tpu.memref_slice %arg2[%dma_wait3A_87, %dma_wait3A_88] : memref<10000x128xbf16, #tpu.memory_space<hbm>> -> memref<10000x128xbf16, #tpu.memory_space<hbm>>
    %dma_wait3A_90 = tpu.memref_slice %arg10[%dma_wait3A_80] : memref<3x!tpu.dma_semaphore, #tpu.memory_space<semaphore_mem>> -> memref<1x!tpu.dma_semaphore, #tpu.memory_space<semaphore_mem>>
    %dma_wait3A_91 = tpu.memref_squeeze %dma_wait3A_90 : memref<1x!tpu.dma_semaphore, #tpu.memory_space<semaphore_mem>> -> memref<!tpu.dma_semaphore, #tpu.memory_space<semaphore_mem>>
    tpu.wait_indirect_dma semaphore(%dma_wait3A_91 : memref<!tpu.dma_semaphore, #tpu.memory_space<semaphore_mem>>) src(%dma_wait3A_89 : memref<10000x128xbf16, #tpu.memory_space<hbm>>) dst(%dma_wait3A_84 : memref<80x128xbf16, #tpu.memory_space<vmem>>)
    %dma_wait3A_92 = arith.constant 0 : i32
    %dma_wait3A_93 = arith.constant 0 : i32
    %dma_wait3A_94 = arith.constant 0 : i32
    %dma_wait3A_95 = arith.constant 0 : i32
    %dma_wait3A_96 = tpu.memref_slice %arg8[%dma_wait3A_92, %dma_wait3A_94, %dma_wait3A_95] : memref<3x80x128xbf16, #tpu.memory_space<vmem>> -> memref<1x80x128xbf16, #tpu.memory_space<vmem>>
    %dma_wait3A_97 = tpu.memref_squeeze %dma_wait3A_96 : memref<1x80x128xbf16, #tpu.memory_space<vmem>> -> memref<80x128xbf16, #tpu.memory_space<vmem>>
    %dma_wait3A_98 = arith.constant 9840 : i32
    %dma_wait3A_99 = tpu.memref_slice %arg6[%dma_wait3A_98] : memref<10000xi32, #tpu.memory_space<vmem>> -> memref<80xi32, #tpu.memory_space<vmem>>
    %dma_wait3A_100 = arith.constant 0 : i32
    %dma_wait3A_101 = arith.constant 0 : i32
    %dma_wait3A_102 = tpu.memref_slice %arg2[%dma_wait3A_100, %dma_wait3A_101] : memref<10000x128xbf16, #tpu.memory_space<hbm>> -> memref<10000x128xbf16, #tpu.memory_space<hbm>>
    %dma_wait3A_103 = tpu.memref_slice %arg10[%dma_wait3A_93] : memref<3x!tpu.dma_semaphore, #tpu.memory_space<semaphore_mem>> -> memref<1x!tpu.dma_semaphore, #tpu.memory_space<semaphore_mem>>
    %dma_wait3A_104 = tpu.memref_squeeze %dma_wait3A_103 : memref<1x!tpu.dma_semaphore, #tpu.memory_space<semaphore_mem>> -> memref<!tpu.dma_semaphore, #tpu.memory_space<semaphore_mem>>
    tpu.wait_indirect_dma semaphore(%dma_wait3A_104 : memref<!tpu.dma_semaphore, #tpu.memory_space<semaphore_mem>>) src(%dma_wait3A_102 : memref<10000x128xbf16, #tpu.memory_space<hbm>>) dst(%dma_wait3A_97 : memref<80x128xbf16, #tpu.memory_space<vmem>>)
    %scan3A_105 = arith.constant 0 : i32
    %scan3A_106 = arith.constant 0 : i32
    %scan3A_107 = arith.constant 0 : i32
    %scan3A_108 = arith.constant 0 : i32
    %scan3A_109 = arith.constant 5 : i32
    %scan3A_110 = arith.addi %scan3A_108, %scan3A_109 : i32
    %scan3A_111 = arith.constant 1 : i32
    %scan3A_112 = scf.for %scan3A_149 = %scan3A_108 to %scan3A_110 step %scan3A_111 iter_args(%scan3A_150 = %scan3A_107) -> (i32)  : i32 {
      %broadcast_in_dim3A = arith.constant 0.000000e+00 : f32
      %broadcast_in_dim3A_151 = vector.broadcast %broadcast_in_dim3A : f32 to vector<16xf32>
      %scan3A_152 = arith.constant 0 : i32
      %scan3A_153 = arith.constant 8 : i32
      %scan3A_154 = arith.addi %scan3A_152, %scan3A_153 : i32
      %scan3A_155 = arith.constant 1 : i32
      %scan3A_156 = scf.for %scan3A_164 = %scan3A_152 to %scan3A_154 step %scan3A_155 iter_args(%scan3A_165 = %broadcast_in_dim3A_151) -> (vector<16xf32>)  : i32 {
        %mul3A_166 = arith.constant 16 : i32
        %mul3A_167 = arith.muli %scan3A_149, %mul3A_166 : i32
        %mul3A_168 = arith.constant 2 : i32
        %mul3A_169 = arith.muli %mul3A_168, %scan3A_164 : i32
        %add3A_170 = arith.addi %mul3A_167, %mul3A_169 : i32
        %add3A_171 = arith.constant 0 : i32
        %add3A_172 = arith.addi %add3A_170, %add3A_171 : i32
        %broadcast_in_dim3A_173 = arith.constant 0.000000e+00 : bf16
        %broadcast_in_dim3A_174 = vector.broadcast %broadcast_in_dim3A_173 : bf16 to vector<32xbf16>
        %get3A = arith.constant 0 : i32
        %get3A_175 = arith.constant 0 : i32
        %get3A_176 = tpu.memref_slice %arg7[%scan3A_105, %get3A, %get3A_175] : memref<3x80x128xbf16, #tpu.memory_space<vmem>> -> memref<1x80x128xbf16, #tpu.memory_space<vmem>>
        %get3A_177 = tpu.memref_squeeze %get3A_176 : memref<1x80x128xbf16, #tpu.memory_space<vmem>> -> memref<80x128xbf16, #tpu.memory_space<vmem>>
        %get3A_178 = arith.index_cast %add3A_172 : i32 to index
        %get3A_179 = arith.constant 0 : index
        %get3A_180 = tpu.vector_load %get3A_177[%get3A_178, %get3A_179] {strides = array<i32>} : memref<80x128xbf16, #tpu.memory_space<vmem>>, vector<32xbf16>,
        %get3A_181 = arith.constant 0 : i32
        %get3A_182 = arith.constant 0 : i32
        %get3A_183 = tpu.memref_slice %arg8[%scan3A_106, %get3A_181, %get3A_182] : memref<3x80x128xbf16, #tpu.memory_space<vmem>> -> memref<1x80x128xbf16, #tpu.memory_space<vmem>>
        %get3A_184 = tpu.memref_squeeze %get3A_183 : memref<1x80x128xbf16, #tpu.memory_space<vmem>> -> memref<80x128xbf16, #tpu.memory_space<vmem>>
        %get3A_185 = arith.index_cast %add3A_172 : i32 to index
        %get3A_186 = arith.constant 0 : index
        %get3A_187 = tpu.vector_load %get3A_184[%get3A_185, %get3A_186] {strides = array<i32>} : memref<80x128xbf16, #tpu.memory_space<vmem>>, vector<32xbf16>,
        %mul3A_188 = arith.mulf %get3A_180, %get3A_187 : vector<32xbf16>
        %add3A_189 = arith.addf %broadcast_in_dim3A_174, %mul3A_188 : vector<32xbf16>
        %get3A_190 = arith.constant 0 : i32
        %get3A_191 = arith.constant 0 : i32
        %get3A_192 = tpu.memref_slice %arg7[%scan3A_105, %get3A_190, %get3A_191] : memref<3x80x128xbf16, #tpu.memory_space<vmem>> -> memref<1x80x128xbf16, #tpu.memory_space<vmem>>
        %get3A_193 = tpu.memref_squeeze %get3A_192 : memref<1x80x128xbf16, #tpu.memory_space<vmem>> -> memref<80x128xbf16, #tpu.memory_space<vmem>>
        %get3A_194 = arith.index_cast %add3A_172 : i32 to index
        %get3A_195 = arith.constant 32 : index
        %get3A_196 = tpu.vector_load %get3A_193[%get3A_194, %get3A_195] {strides = array<i32>} : memref<80x128xbf16, #tpu.memory_space<vmem>>, vector<32xbf16>,
        %get3A_197 = arith.constant 0 : i32
        %get3A_198 = arith.constant 0 : i32
        %get3A_199 = tpu.memref_slice %arg8[%scan3A_106, %get3A_197, %get3A_198] : memref<3x80x128xbf16, #tpu.memory_space<vmem>> -> memref<1x80x128xbf16, #tpu.memory_space<vmem>>
        %get3A_200 = tpu.memref_squeeze %get3A_199 : memref<1x80x128xbf16, #tpu.memory_space<vmem>> -> memref<80x128xbf16, #tpu.memory_space<vmem>>
        %get3A_201 = arith.index_cast %add3A_172 : i32 to index
        %get3A_202 = arith.constant 32 : index
        %get3A_203 = tpu.vector_load %get3A_200[%get3A_201, %get3A_202] {strides = array<i32>} : memref<80x128xbf16, #tpu.memory_space<vmem>>, vector<32xbf16>,
        %mul3A_204 = arith.mulf %get3A_196, %get3A_203 : vector<32xbf16>
        %add3A_205 = arith.addf %add3A_189, %mul3A_204 : vector<32xbf16>
        %get3A_206 = arith.constant 0 : i32
        %get3A_207 = arith.constant 0 : i32
        %get3A_208 = tpu.memref_slice %arg7[%scan3A_105, %get3A_206, %get3A_207] : memref<3x80x128xbf16, #tpu.memory_space<vmem>> -> memref<1x80x128xbf16, #tpu.memory_space<vmem>>
        %get3A_209 = tpu.memref_squeeze %get3A_208 : memref<1x80x128xbf16, #tpu.memory_space<vmem>> -> memref<80x128xbf16, #tpu.memory_space<vmem>>
        %get3A_210 = arith.index_cast %add3A_172 : i32 to index
        %get3A_211 = arith.constant 64 : index
        %get3A_212 = tpu.vector_load %get3A_209[%get3A_210, %get3A_211] {strides = array<i32>} : memref<80x128xbf16, #tpu.memory_space<vmem>>, vector<32xbf16>,
        %get3A_213 = arith.constant 0 : i32
        %get3A_214 = arith.constant 0 : i32
        %get3A_215 = tpu.memref_slice %arg8[%scan3A_106, %get3A_213, %get3A_214] : memref<3x80x128xbf16, #tpu.memory_space<vmem>> -> memref<1x80x128xbf16, #tpu.memory_space<vmem>>
        %get3A_216 = tpu.memref_squeeze %get3A_215 : memref<1x80x128xbf16, #tpu.memory_space<vmem>> -> memref<80x128xbf16, #tpu.memory_space<vmem>>
        %get3A_217 = arith.index_cast %add3A_172 : i32 to index
        %get3A_218 = arith.constant 64 : index
        %get3A_219 = tpu.vector_load %get3A_216[%get3A_217, %get3A_218] {strides = array<i32>} : memref<80x128xbf16, #tpu.memory_space<vmem>>, vector<32xbf16>,
        %mul3A_220 = arith.mulf %get3A_212, %get3A_219 : vector<32xbf16>
        %add3A_221 = arith.addf %add3A_205, %mul3A_220 : vector<32xbf16>
        %get3A_222 = arith.constant 0 : i32
        %get3A_223 = arith.constant 0 : i32
        %get3A_224 = tpu.memref_slice %arg7[%scan3A_105, %get3A_222, %get3A_223] : memref<3x80x128xbf16, #tpu.memory_space<vmem>> -> memref<1x80x128xbf16, #tpu.memory_space<vmem>>
        %get3A_225 = tpu.memref_squeeze %get3A_224 : memref<1x80x128xbf16, #tpu.memory_space<vmem>> -> memref<80x128xbf16, #tpu.memory_space<vmem>>
        %get3A_226 = arith.index_cast %add3A_172 : i32 to index
        %get3A_227 = arith.constant 96 : index
        %get3A_228 = tpu.vector_load %get3A_225[%get3A_226, %get3A_227] {strides = array<i32>} : memref<80x128xbf16, #tpu.memory_space<vmem>>, vector<32xbf16>,
        %get3A_229 = arith.constant 0 : i32
        %get3A_230 = arith.constant 0 : i32
        %get3A_231 = tpu.memref_slice %arg8[%scan3A_106, %get3A_229, %get3A_230] : memref<3x80x128xbf16, #tpu.memory_space<vmem>> -> memref<1x80x128xbf16, #tpu.memory_space<vmem>>
        %get3A_232 = tpu.memref_squeeze %get3A_231 : memref<1x80x128xbf16, #tpu.memory_space<vmem>> -> memref<80x128xbf16, #tpu.memory_space<vmem>>
        %get3A_233 = arith.index_cast %add3A_172 : i32 to index
        %get3A_234 = arith.constant 96 : index
        %get3A_235 = tpu.vector_load %get3A_232[%get3A_233, %get3A_234] {strides = array<i32>} : memref<80x128xbf16, #tpu.memory_space<vmem>>, vector<32xbf16>,
        %mul3A_236 = arith.mulf %get3A_228, %get3A_235 : vector<32xbf16>
        %add3A_237 = arith.addf %add3A_221, %mul3A_236 : vector<32xbf16>
        %unpack3A = tpu.unpack_subelements %add3A_237, 0 {pack_format = #tpu.pack_format<interleaved>} : vector<32xbf16> -> vector<16xf32>
        %unpack3A_238 = tpu.unpack_subelements %add3A_237, 1 {pack_format = #tpu.pack_format<interleaved>} : vector<32xbf16> -> vector<16xf32>
        %mul3A_239 = arith.constant 2 : i32
        %mul3A_240 = arith.muli %mul3A_239, %scan3A_164 : i32
        %add3A_241 = arith.constant 0 : i32
        %add3A_242 = arith.addi %mul3A_240, %add3A_241 : i32
        %eq3A = vector.broadcast %add3A_242 : i32 to vector<16xi32>
        %eq3A_243 = arith.cmpi eq, %iota3A, %eq3A : vector<16xi32>
        %add3A_244 = arith.addf %unpack3A, %unpack3A_238 : vector<16xf32>
        %reduce_sum3A = arith.constant true
        %reduce_sum3A_245 = vector.broadcast %reduce_sum3A : i1 to vector<16xi1>
        %reduce_sum3A_246 = tpu.scan <sum>, %add3A_244 masked %reduce_sum3A_245 : vector<16xf32>, vector<16xi1> -> vector<16xf32>
        %reduce_sum3A_247 = vector.extract %reduce_sum3A_246[15] : f32 from vector<16xf32>
        %broadcast_in_dim3A_248 = vector.broadcast %reduce_sum3A_247 : f32 to vector<16xf32>
        %select_n3A = arith.select %eq3A_243, %broadcast_in_dim3A_248, %scan3A_165 : vector<16xi1>, vector<16xf32>
        %mul3A_249 = arith.constant 16 : i32
        %mul3A_250 = arith.muli %scan3A_149, %mul3A_249 : i32
        %mul3A_251 = arith.constant 2 : i32
        %mul3A_252 = arith.muli %mul3A_251, %scan3A_164 : i32
        %add3A_253 = arith.addi %mul3A_250, %mul3A_252 : i32
        %add3A_254 = arith.constant 1 : i32
        %add3A_255 = arith.addi %add3A_253, %add3A_254 : i32
        %broadcast_in_dim3A_256 = arith.constant 0.000000e+00 : bf16
        %broadcast_in_dim3A_257 = vector.broadcast %broadcast_in_dim3A_256 : bf16 to vector<32xbf16>
        %get3A_258 = arith.constant 0 : i32
        %get3A_259 = arith.constant 0 : i32
        %get3A_260 = tpu.memref_slice %arg7[%scan3A_105, %get3A_258, %get3A_259] : memref<3x80x128xbf16, #tpu.memory_space<vmem>> -> memref<1x80x128xbf16, #tpu.memory_space<vmem>>
        %get3A_261 = tpu.memref_squeeze %get3A_260 : memref<1x80x128xbf16, #tpu.memory_space<vmem>> -> memref<80x128xbf16, #tpu.memory_space<vmem>>
        %get3A_262 = arith.index_cast %add3A_255 : i32 to index
        %get3A_263 = arith.constant 0 : index
        %get3A_264 = tpu.vector_load %get3A_261[%get3A_262, %get3A_263] {strides = array<i32>} : memref<80x128xbf16, #tpu.memory_space<vmem>>, vector<32xbf16>,
        %get3A_265 = arith.constant 0 : i32
        %get3A_266 = arith.constant 0 : i32
        %get3A_267 = tpu.memref_slice %arg8[%scan3A_106, %get3A_265, %get3A_266] : memref<3x80x128xbf16, #tpu.memory_space<vmem>> -> memref<1x80x128xbf16, #tpu.memory_space<vmem>>
        %get3A_268 = tpu.memref_squeeze %get3A_267 : memref<1x80x128xbf16, #tpu.memory_space<vmem>> -> memref<80x128xbf16, #tpu.memory_space<vmem>>
        %get3A_269 = arith.index_cast %add3A_255 : i32 to index
        %get3A_270 = arith.constant 0 : index
        %get3A_271 = tpu.vector_load %get3A_268[%get3A_269, %get3A_270] {strides = array<i32>} : memref<80x128xbf16, #tpu.memory_space<vmem>>, vector<32xbf16>,
        %mul3A_272 = arith.mulf %get3A_264, %get3A_271 : vector<32xbf16>
        %add3A_273 = arith.addf %broadcast_in_dim3A_257, %mul3A_272 : vector<32xbf16>
        %get3A_274 = arith.constant 0 : i32
        %get3A_275 = arith.constant 0 : i32
        %get3A_276 = tpu.memref_slice %arg7[%scan3A_105, %get3A_274, %get3A_275] : memref<3x80x128xbf16, #tpu.memory_space<vmem>> -> memref<1x80x128xbf16, #tpu.memory_space<vmem>>
        %get3A_277 = tpu.memref_squeeze %get3A_276 : memref<1x80x128xbf16, #tpu.memory_space<vmem>> -> memref<80x128xbf16, #tpu.memory_space<vmem>>
        %get3A_278 = arith.index_cast %add3A_255 : i32 to index
        %get3A_279 = arith.constant 32 : index
        %get3A_280 = tpu.vector_load %get3A_277[%get3A_278, %get3A_279] {strides = array<i32>} : memref<80x128xbf16, #tpu.memory_space<vmem>>, vector<32xbf16>,
        %get3A_281 = arith.constant 0 : i32
        %get3A_282 = arith.constant 0 : i32
        %get3A_283 = tpu.memref_slice %arg8[%scan3A_106, %get3A_281, %get3A_282] : memref<3x80x128xbf16, #tpu.memory_space<vmem>> -> memref<1x80x128xbf16, #tpu.memory_space<vmem>>
        %get3A_284 = tpu.memref_squeeze %get3A_283 : memref<1x80x128xbf16, #tpu.memory_space<vmem>> -> memref<80x128xbf16, #tpu.memory_space<vmem>>
        %get3A_285 = arith.index_cast %add3A_255 : i32 to index
        %get3A_286 = arith.constant 32 : index
        %get3A_287 = tpu.vector_load %get3A_284[%get3A_285, %get3A_286] {strides = array<i32>} : memref<80x128xbf16, #tpu.memory_space<vmem>>, vector<32xbf16>,
        %mul3A_288 = arith.mulf %get3A_280, %get3A_287 : vector<32xbf16>
        %add3A_289 = arith.addf %add3A_273, %mul3A_288 : vector<32xbf16>
        %get3A_290 = arith.constant 0 : i32
        %get3A_291 = arith.constant 0 : i32
        %get3A_292 = tpu.memref_slice %arg7[%scan3A_105, %get3A_290, %get3A_291] : memref<3x80x128xbf16, #tpu.memory_space<vmem>> -> memref<1x80x128xbf16, #tpu.memory_space<vmem>>
        %get3A_293 = tpu.memref_squeeze %get3A_292 : memref<1x80x128xbf16, #tpu.memory_space<vmem>> -> memref<80x128xbf16, #tpu.memory_space<vmem>>
        %get3A_294 = arith.index_cast %add3A_255 : i32 to index
        %get3A_295 = arith.constant 64 : index
        %get3A_296 = tpu.vector_load %get3A_293[%get3A_294, %get3A_295] {strides = array<i32>} : memref<80x128xbf16, #tpu.memory_space<vmem>>, vector<32xbf16>,
        %get3A_297 = arith.constant 0 : i32
        %get3A_298 = arith.constant 0 : i32
        %get3A_299 = tpu.memref_slice %arg8[%scan3A_106, %get3A_297, %get3A_298] : memref<3x80x128xbf16, #tpu.memory_space<vmem>> -> memref<1x80x128xbf16, #tpu.memory_space<vmem>>
        %get3A_300 = tpu.memref_squeeze %get3A_299 : memref<1x80x128xbf16, #tpu.memory_space<vmem>> -> memref<80x128xbf16, #tpu.memory_space<vmem>>
        %get3A_301 = arith.index_cast %add3A_255 : i32 to index
        %get3A_302 = arith.constant 64 : index
        %get3A_303 = tpu.vector_load %get3A_300[%get3A_301, %get3A_302] {strides = array<i32>} : memref<80x128xbf16, #tpu.memory_space<vmem>>, vector<32xbf16>,
        %mul3A_304 = arith.mulf %get3A_296, %get3A_303 : vector<32xbf16>
        %add3A_305 = arith.addf %add3A_289, %mul3A_304 : vector<32xbf16>
        %get3A_306 = arith.constant 0 : i32
        %get3A_307 = arith.constant 0 : i32
        %get3A_308 = tpu.memref_slice %arg7[%scan3A_105, %get3A_306, %get3A_307] : memref<3x80x128xbf16, #tpu.memory_space<vmem>> -> memref<1x80x128xbf16, #tpu.memory_space<vmem>>
        %get3A_309 = tpu.memref_squeeze %get3A_308 : memref<1x80x128xbf16, #tpu.memory_space<vmem>> -> memref<80x128xbf16, #tpu.memory_space<vmem>>
        %get3A_310 = arith.index_cast %add3A_255 : i32 to index
        %get3A_311 = arith.constant 96 : index
        %get3A_312 = tpu.vector_load %get3A_309[%get3A_310, %get3A_311] {strides = array<i32>} : memref<80x128xbf16, #tpu.memory_space<vmem>>, vector<32xbf16>,
        %get3A_313 = arith.constant 0 : i32
        %get3A_314 = arith.constant 0 : i32
        %get3A_315 = tpu.memref_slice %arg8[%scan3A_106, %get3A_313, %get3A_314] : memref<3x80x128xbf16, #tpu.memory_space<vmem>> -> memref<1x80x128xbf16, #tpu.memory_space<vmem>>
        %get3A_316 = tpu.memref_squeeze %get3A_315 : memref<1x80x128xbf16, #tpu.memory_space<vmem>> -> memref<80x128xbf16, #tpu.memory_space<vmem>>
        %get3A_317 = arith.index_cast %add3A_255 : i32 to index
        %get3A_318 = arith.constant 96 : index
        %get3A_319 = tpu.vector_load %get3A_316[%get3A_317, %get3A_318] {strides = array<i32>} : memref<80x128xbf16, #tpu.memory_space<vmem>>, vector<32xbf16>,
        %mul3A_320 = arith.mulf %get3A_312, %get3A_319 : vector<32xbf16>
        %add3A_321 = arith.addf %add3A_305, %mul3A_320 : vector<32xbf16>
        %unpack3A_322 = tpu.unpack_subelements %add3A_321, 0 {pack_format = #tpu.pack_format<interleaved>} : vector<32xbf16> -> vector<16xf32>
        %unpack3A_323 = tpu.unpack_subelements %add3A_321, 1 {pack_format = #tpu.pack_format<interleaved>} : vector<32xbf16> -> vector<16xf32>
        %mul3A_324 = arith.constant 2 : i32
        %mul3A_325 = arith.muli %mul3A_324, %scan3A_164 : i32
        %add3A_326 = arith.constant 1 : i32
        %add3A_327 = arith.addi %mul3A_325, %add3A_326 : i32
        %eq3A_328 = vector.broadcast %add3A_327 : i32 to vector<16xi32>
        %eq3A_329 = arith.cmpi eq, %iota3A, %eq3A_328 : vector<16xi32>
        %add3A_330 = arith.addf %unpack3A_322, %unpack3A_323 : vector<16xf32>
        %reduce_sum3A_331 = arith.constant true
        %reduce_sum3A_332 = vector.broadcast %reduce_sum3A_331 : i1 to vector<16xi1>
        %reduce_sum3A_333 = tpu.scan <sum>, %add3A_330 masked %reduce_sum3A_332 : vector<16xf32>, vector<16xi1> -> vector<16xf32>
        %reduce_sum3A_334 = vector.extract %reduce_sum3A_333[15] : f32 from vector<16xf32>
        %broadcast_in_dim3A_335 = vector.broadcast %reduce_sum3A_334 : f32 to vector<16xf32>
        %select_n3A_336 = arith.select %eq3A_329, %broadcast_in_dim3A_335, %select_n3A : vector<16xi1>, vector<16xf32>
        scf.yield %select_n3A_336 : vector<16xf32>
      }
      %scan3A_157 = arith.constant 8 : i32
      %mul3A_158 = arith.constant 16 : i32
      %mul3A_159 = arith.muli %scan3A_149, %mul3A_158 : i32
      %add3A_160 = arith.constant 9840 : i32
      %add3A_161 = arith.addi %add3A_160, %mul3A_159 : i32
      %swap3A = arith.index_cast %add3A_161 : i32 to index
      %swap3A_162 = tpu.vector_load %arg9[%swap3A] {strides = array<i32>} : memref<10000xf32, #tpu.memory_space<vmem>>, vector<16xf32>,
      tpu.vector_store %arg9[%swap3A], %scan3A_156 {strides = array<i32>} : memref<10000xf32, #tpu.memory_space<vmem>>, vector<16xf32>,
      %scan3A_163 = arith.constant 0 : i32
      scf.yield %scan3A_163 : i32
    }
    %scan3A_113 = arith.constant 5 : i32
    %dma_wait3A_114 = arith.constant 1 : i32
    %dma_wait3A_115 = arith.constant 1 : i32
    %dma_wait3A_116 = arith.constant 0 : i32
    %dma_wait3A_117 = arith.constant 0 : i32
    %dma_wait3A_118 = tpu.memref_slice %arg7[%dma_wait3A_114, %dma_wait3A_116, %dma_wait3A_117] : memref<3x80x128xbf16, #tpu.memory_space<vmem>> -> memref<1x80x128xbf16, #tpu.memory_space<vmem>>
    %dma_wait3A_119 = tpu.memref_squeeze %dma_wait3A_118 : memref<1x80x128xbf16, #tpu.memory_space<vmem>> -> memref<80x128xbf16, #tpu.memory_space<vmem>>
    %dma_wait3A_120 = arith.constant 9920 : i32
    %dma_wait3A_121 = tpu.memref_slice %arg5[%dma_wait3A_120] : memref<10000xi32, #tpu.memory_space<vmem>> -> memref<80xi32, #tpu.memory_space<vmem>>
    %dma_wait3A_122 = arith.constant 0 : i32
    %dma_wait3A_123 = arith.constant 0 : i32
    %dma_wait3A_124 = tpu.memref_slice %arg2[%dma_wait3A_122, %dma_wait3A_123] : memref<10000x128xbf16, #tpu.memory_space<hbm>> -> memref<10000x128xbf16, #tpu.memory_space<hbm>>
    %dma_wait3A_125 = tpu.memref_slice %arg10[%dma_wait3A_115] : memref<3x!tpu.dma_semaphore, #tpu.memory_space<semaphore_mem>> -> memref<1x!tpu.dma_semaphore, #tpu.memory_space<semaphore_mem>>
    %dma_wait3A_126 = tpu.memref_squeeze %dma_wait3A_125 : memref<1x!tpu.dma_semaphore, #tpu.memory_space<semaphore_mem>> -> memref<!tpu.dma_semaphore, #tpu.memory_space<semaphore_mem>>
    tpu.wait_indirect_dma semaphore(%dma_wait3A_126 : memref<!tpu.dma_semaphore, #tpu.memory_space<semaphore_mem>>) src(%dma_wait3A_124 : memref<10000x128xbf16, #tpu.memory_space<hbm>>) dst(%dma_wait3A_119 : memref<80x128xbf16, #tpu.memory_space<vmem>>)
    %dma_wait3A_127 = arith.constant 1 : i32
    %dma_wait3A_128 = arith.constant 1 : i32
    %dma_wait3A_129 = arith.constant 0 : i32
    %dma_wait3A_130 = arith.constant 0 : i32
    %dma_wait3A_131 = tpu.memref_slice %arg8[%dma_wait3A_127, %dma_wait3A_129, %dma_wait3A_130] : memref<3x80x128xbf16, #tpu.memory_space<vmem>> -> memref<1x80x128xbf16, #tpu.memory_space<vmem>>
    %dma_wait3A_132 = tpu.memref_squeeze %dma_wait3A_131 : memref<1x80x128xbf16, #tpu.memory_space<vmem>> -> memref<80x128xbf16, #tpu.memory_space<vmem>>
    %dma_wait3A_133 = arith.constant 9920 : i32
    %dma_wait3A_134 = tpu.memref_slice %arg6[%dma_wait3A_133] : memref<10000xi32, #tpu.memory_space<vmem>> -> memref<80xi32, #tpu.memory_space<vmem>>
    %dma_wait3A_135 = arith.constant 0 : i32
    %dma_wait3A_136 = arith.constant 0 : i32
    %dma_wait3A_137 = tpu.memref_slice %arg2[%dma_wait3A_135, %dma_wait3A_136] : memref<10000x128xbf16, #tpu.memory_space<hbm>> -> memref<10000x128xbf16, #tpu.memory_space<hbm>>
    %dma_wait3A_138 = tpu.memref_slice %arg10[%dma_wait3A_128] : memref<3x!tpu.dma_semaphore, #tpu.memory_space<semaphore_mem>> -> memref<1x!tpu.dma_semaphore, #tpu.memory_space<semaphore_mem>>
    %dma_wait3A_139 = tpu.memref_squeeze %dma_wait3A_138 : memref<1x!tpu.dma_semaphore, #tpu.memory_space<semaphore_mem>> -> memref<!tpu.dma_semaphore, #tpu.memory_space<semaphore_mem>>
    tpu.wait_indirect_dma semaphore(%dma_wait3A_139 : memref<!tpu.dma_semaphore, #tpu.memory_space<semaphore_mem>>) src(%dma_wait3A_137 : memref<10000x128xbf16, #tpu.memory_space<hbm>>) dst(%dma_wait3A_132 : memref<80x128xbf16, #tpu.memory_space<vmem>>)
    %scan3A_140 = arith.constant 1 : i32
    %scan3A_141 = arith.constant 1 : i32
    %scan3A_142 = arith.constant 0 : i32
    %scan3A_143 = arith.constant 0 : i32
    %scan3A_144 = arith.constant 5 : i32
    %scan3A_145 = arith.addi %scan3A_143, %scan3A_144 : i32
    %scan3A_146 = arith.constant 1 : i32
    %scan3A_147 = scf.for %scan3A_149 = %scan3A_143 to %scan3A_145 step %scan3A_146 iter_args(%scan3A_150 = %scan3A_142) -> (i32)  : i32 {
      %broadcast_in_dim3A = arith.constant 0.000000e+00 : f32
      %broadcast_in_dim3A_151 = vector.broadcast %broadcast_in_dim3A : f32 to vector<16xf32>
      %scan3A_152 = arith.constant 0 : i32
      %scan3A_153 = arith.constant 8 : i32
      %scan3A_154 = arith.addi %scan3A_152, %scan3A_153 : i32
      %scan3A_155 = arith.constant 1 : i32
      %scan3A_156 = scf.for %scan3A_164 = %scan3A_152 to %scan3A_154 step %scan3A_155 iter_args(%scan3A_165 = %broadcast_in_dim3A_151) -> (vector<16xf32>)  : i32 {
        %mul3A_166 = arith.constant 16 : i32
        %mul3A_167 = arith.muli %scan3A_149, %mul3A_166 : i32
        %mul3A_168 = arith.constant 2 : i32
        %mul3A_169 = arith.muli %mul3A_168, %scan3A_164 : i32
        %add3A_170 = arith.addi %mul3A_167, %mul3A_169 : i32
        %add3A_171 = arith.constant 0 : i32
        %add3A_172 = arith.addi %add3A_170, %add3A_171 : i32
        %broadcast_in_dim3A_173 = arith.constant 0.000000e+00 : bf16
        %broadcast_in_dim3A_174 = vector.broadcast %broadcast_in_dim3A_173 : bf16 to vector<32xbf16>
        %get3A = arith.constant 0 : i32
        %get3A_175 = arith.constant 0 : i32
        %get3A_176 = tpu.memref_slice %arg7[%scan3A_140, %get3A, %get3A_175] : memref<3x80x128xbf16, #tpu.memory_space<vmem>> -> memref<1x80x128xbf16, #tpu.memory_space<vmem>>
        %get3A_177 = tpu.memref_squeeze %get3A_176 : memref<1x80x128xbf16, #tpu.memory_space<vmem>> -> memref<80x128xbf16, #tpu.memory_space<vmem>>
        %get3A_178 = arith.index_cast %add3A_172 : i32 to index
        %get3A_179 = arith.constant 0 : index
        %get3A_180 = tpu.vector_load %get3A_177[%get3A_178, %get3A_179] {strides = array<i32>} : memref<80x128xbf16, #tpu.memory_space<vmem>>, vector<32xbf16>,
        %get3A_181 = arith.constant 0 : i32
        %get3A_182 = arith.constant 0 : i32
        %get3A_183 = tpu.memref_slice %arg8[%scan3A_141, %get3A_181, %get3A_182] : memref<3x80x128xbf16, #tpu.memory_space<vmem>> -> memref<1x80x128xbf16, #tpu.memory_space<vmem>>
        %get3A_184 = tpu.memref_squeeze %get3A_183 : memref<1x80x128xbf16, #tpu.memory_space<vmem>> -> memref<80x128xbf16, #tpu.memory_space<vmem>>
        %get3A_185 = arith.index_cast %add3A_172 : i32 to index
        %get3A_186 = arith.constant 0 : index
        %get3A_187 = tpu.vector_load %get3A_184[%get3A_185, %get3A_186] {strides = array<i32>} : memref<80x128xbf16, #tpu.memory_space<vmem>>, vector<32xbf16>,
        %mul3A_188 = arith.mulf %get3A_180, %get3A_187 : vector<32xbf16>
        %add3A_189 = arith.addf %broadcast_in_dim3A_174, %mul3A_188 : vector<32xbf16>
        %get3A_190 = arith.constant 0 : i32
        %get3A_191 = arith.constant 0 : i32
        %get3A_192 = tpu.memref_slice %arg7[%scan3A_140, %get3A_190, %get3A_191] : memref<3x80x128xbf16, #tpu.memory_space<vmem>> -> memref<1x80x128xbf16, #tpu.memory_space<vmem>>
        %get3A_193 = tpu.memref_squeeze %get3A_192 : memref<1x80x128xbf16, #tpu.memory_space<vmem>> -> memref<80x128xbf16, #tpu.memory_space<vmem>>
        %get3A_194 = arith.index_cast %add3A_172 : i32 to index
        %get3A_195 = arith.constant 32 : index
        %get3A_196 = tpu.vector_load %get3A_193[%get3A_194, %get3A_195] {strides = array<i32>} : memref<80x128xbf16, #tpu.memory_space<vmem>>, vector<32xbf16>,
        %get3A_197 = arith.constant 0 : i32
        %get3A_198 = arith.constant 0 : i32
        %get3A_199 = tpu.memref_slice %arg8[%scan3A_141, %get3A_197, %get3A_198] : memref<3x80x128xbf16, #tpu.memory_space<vmem>> -> memref<1x80x128xbf16, #tpu.memory_space<vmem>>
        %get3A_200 = tpu.memref_squeeze %get3A_199 : memref<1x80x128xbf16, #tpu.memory_space<vmem>> -> memref<80x128xbf16, #tpu.memory_space<vmem>>
        %get3A_201 = arith.index_cast %add3A_172 : i32 to index
        %get3A_202 = arith.constant 32 : index
        %get3A_203 = tpu.vector_load %get3A_200[%get3A_201, %get3A_202] {strides = array<i32>} : memref<80x128xbf16, #tpu.memory_space<vmem>>, vector<32xbf16>,
        %mul3A_204 = arith.mulf %get3A_196, %get3A_203 : vector<32xbf16>
        %add3A_205 = arith.addf %add3A_189, %mul3A_204 : vector<32xbf16>
        %get3A_206 = arith.constant 0 : i32
        %get3A_207 = arith.constant 0 : i32
        %get3A_208 = tpu.memref_slice %arg7[%scan3A_140, %get3A_206, %get3A_207] : memref<3x80x128xbf16, #tpu.memory_space<vmem>> -> memref<1x80x128xbf16, #tpu.memory_space<vmem>>
        %get3A_209 = tpu.memref_squeeze %get3A_208 : memref<1x80x128xbf16, #tpu.memory_space<vmem>> -> memref<80x128xbf16, #tpu.memory_space<vmem>>
        %get3A_210 = arith.index_cast %add3A_172 : i32 to index
        %get3A_211 = arith.constant 64 : index
        %get3A_212 = tpu.vector_load %get3A_209[%get3A_210, %get3A_211] {strides = array<i32>} : memref<80x128xbf16, #tpu.memory_space<vmem>>, vector<32xbf16>,
        %get3A_213 = arith.constant 0 : i32
        %get3A_214 = arith.constant 0 : i32
        %get3A_215 = tpu.memref_slice %arg8[%scan3A_141, %get3A_213, %get3A_214] : memref<3x80x128xbf16, #tpu.memory_space<vmem>> -> memref<1x80x128xbf16, #tpu.memory_space<vmem>>
        %get3A_216 = tpu.memref_squeeze %get3A_215 : memref<1x80x128xbf16, #tpu.memory_space<vmem>> -> memref<80x128xbf16, #tpu.memory_space<vmem>>
        %get3A_217 = arith.index_cast %add3A_172 : i32 to index
        %get3A_218 = arith.constant 64 : index
        %get3A_219 = tpu.vector_load %get3A_216[%get3A_217, %get3A_218] {strides = array<i32>} : memref<80x128xbf16, #tpu.memory_space<vmem>>, vector<32xbf16>,
        %mul3A_220 = arith.mulf %get3A_212, %get3A_219 : vector<32xbf16>
        %add3A_221 = arith.addf %add3A_205, %mul3A_220 : vector<32xbf16>
        %get3A_222 = arith.constant 0 : i32
        %get3A_223 = arith.constant 0 : i32
        %get3A_224 = tpu.memref_slice %arg7[%scan3A_140, %get3A_222, %get3A_223] : memref<3x80x128xbf16, #tpu.memory_space<vmem>> -> memref<1x80x128xbf16, #tpu.memory_space<vmem>>
        %get3A_225 = tpu.memref_squeeze %get3A_224 : memref<1x80x128xbf16, #tpu.memory_space<vmem>> -> memref<80x128xbf16, #tpu.memory_space<vmem>>
        %get3A_226 = arith.index_cast %add3A_172 : i32 to index
        %get3A_227 = arith.constant 96 : index
        %get3A_228 = tpu.vector_load %get3A_225[%get3A_226, %get3A_227] {strides = array<i32>} : memref<80x128xbf16, #tpu.memory_space<vmem>>, vector<32xbf16>,
        %get3A_229 = arith.constant 0 : i32
        %get3A_230 = arith.constant 0 : i32
        %get3A_231 = tpu.memref_slice %arg8[%scan3A_141, %get3A_229, %get3A_230] : memref<3x80x128xbf16, #tpu.memory_space<vmem>> -> memref<1x80x128xbf16, #tpu.memory_space<vmem>>
        %get3A_232 = tpu.memref_squeeze %get3A_231 : memref<1x80x128xbf16, #tpu.memory_space<vmem>> -> memref<80x128xbf16, #tpu.memory_space<vmem>>
        %get3A_233 = arith.index_cast %add3A_172 : i32 to index
        %get3A_234 = arith.constant 96 : index
        %get3A_235 = tpu.vector_load %get3A_232[%get3A_233, %get3A_234] {strides = array<i32>} : memref<80x128xbf16, #tpu.memory_space<vmem>>, vector<32xbf16>,
        %mul3A_236 = arith.mulf %get3A_228, %get3A_235 : vector<32xbf16>
        %add3A_237 = arith.addf %add3A_221, %mul3A_236 : vector<32xbf16>
        %unpack3A = tpu.unpack_subelements %add3A_237, 0 {pack_format = #tpu.pack_format<interleaved>} : vector<32xbf16> -> vector<16xf32>
        %unpack3A_238 = tpu.unpack_subelements %add3A_237, 1 {pack_format = #tpu.pack_format<interleaved>} : vector<32xbf16> -> vector<16xf32>
        %mul3A_239 = arith.constant 2 : i32
        %mul3A_240 = arith.muli %mul3A_239, %scan3A_164 : i32
        %add3A_241 = arith.constant 0 : i32
        %add3A_242 = arith.addi %mul3A_240, %add3A_241 : i32
        %eq3A = vector.broadcast %add3A_242 : i32 to vector<16xi32>
        %eq3A_243 = arith.cmpi eq, %iota3A, %eq3A : vector<16xi32>
        %add3A_244 = arith.addf %unpack3A, %unpack3A_238 : vector<16xf32>
        %reduce_sum3A = arith.constant true
        %reduce_sum3A_245 = vector.broadcast %reduce_sum3A : i1 to vector<16xi1>
        %reduce_sum3A_246 = tpu.scan <sum>, %add3A_244 masked %reduce_sum3A_245 : vector<16xf32>, vector<16xi1> -> vector<16xf32>
        %reduce_sum3A_247 = vector.extract %reduce_sum3A_246[15] : f32 from vector<16xf32>
        %broadcast_in_dim3A_248 = vector.broadcast %reduce_sum3A_247 : f32 to vector<16xf32>
        %select_n3A = arith.select %eq3A_243, %broadcast_in_dim3A_248, %scan3A_165 : vector<16xi1>, vector<16xf32>
        %mul3A_249 = arith.constant 16 : i32
        %mul3A_250 = arith.muli %scan3A_149, %mul3A_249 : i32
        %mul3A_251 = arith.constant 2 : i32
        %mul3A_252 = arith.muli %mul3A_251, %scan3A_164 : i32
        %add3A_253 = arith.addi %mul3A_250, %mul3A_252 : i32
        %add3A_254 = arith.constant 1 : i32
        %add3A_255 = arith.addi %add3A_253, %add3A_254 : i32
        %broadcast_in_dim3A_256 = arith.constant 0.000000e+00 : bf16
        %broadcast_in_dim3A_257 = vector.broadcast %broadcast_in_dim3A_256 : bf16 to vector<32xbf16>
        %get3A_258 = arith.constant 0 : i32
        %get3A_259 = arith.constant 0 : i32
        %get3A_260 = tpu.memref_slice %arg7[%scan3A_140, %get3A_258, %get3A_259] : memref<3x80x128xbf16, #tpu.memory_space<vmem>> -> memref<1x80x128xbf16, #tpu.memory_space<vmem>>
        %get3A_261 = tpu.memref_squeeze %get3A_260 : memref<1x80x128xbf16, #tpu.memory_space<vmem>> -> memref<80x128xbf16, #tpu.memory_space<vmem>>
        %get3A_262 = arith.index_cast %add3A_255 : i32 to index
        %get3A_263 = arith.constant 0 : index
        %get3A_264 = tpu.vector_load %get3A_261[%get3A_262, %get3A_263] {strides = array<i32>} : memref<80x128xbf16, #tpu.memory_space<vmem>>, vector<32xbf16>,
        %get3A_265 = arith.constant 0 : i32
        %get3A_266 = arith.constant 0 : i32
        %get3A_267 = tpu.memref_slice %arg8[%scan3A_141, %get3A_265, %get3A_266] : memref<3x80x128xbf16, #tpu.memory_space<vmem>> -> memref<1x80x128xbf16, #tpu.memory_space<vmem>>
        %get3A_268 = tpu.memref_squeeze %get3A_267 : memref<1x80x128xbf16, #tpu.memory_space<vmem>> -> memref<80x128xbf16, #tpu.memory_space<vmem>>
        %get3A_269 = arith.index_cast %add3A_255 : i32 to index
        %get3A_270 = arith.constant 0 : index
        %get3A_271 = tpu.vector_load %get3A_268[%get3A_269, %get3A_270] {strides = array<i32>} : memref<80x128xbf16, #tpu.memory_space<vmem>>, vector<32xbf16>,
        %mul3A_272 = arith.mulf %get3A_264, %get3A_271 : vector<32xbf16>
        %add3A_273 = arith.addf %broadcast_in_dim3A_257, %mul3A_272 : vector<32xbf16>
        %get3A_274 = arith.constant 0 : i32
        %get3A_275 = arith.constant 0 : i32
        %get3A_276 = tpu.memref_slice %arg7[%scan3A_140, %get3A_274, %get3A_275] : memref<3x80x128xbf16, #tpu.memory_space<vmem>> -> memref<1x80x128xbf16, #tpu.memory_space<vmem>>
        %get3A_277 = tpu.memref_squeeze %get3A_276 : memref<1x80x128xbf16, #tpu.memory_space<vmem>> -> memref<80x128xbf16, #tpu.memory_space<vmem>>
        %get3A_278 = arith.index_cast %add3A_255 : i32 to index
        %get3A_279 = arith.constant 32 : index
        %get3A_280 = tpu.vector_load %get3A_277[%get3A_278, %get3A_279] {strides = array<i32>} : memref<80x128xbf16, #tpu.memory_space<vmem>>, vector<32xbf16>,
        %get3A_281 = arith.constant 0 : i32
        %get3A_282 = arith.constant 0 : i32
        %get3A_283 = tpu.memref_slice %arg8[%scan3A_141, %get3A_281, %get3A_282] : memref<3x80x128xbf16, #tpu.memory_space<vmem>> -> memref<1x80x128xbf16, #tpu.memory_space<vmem>>
        %get3A_284 = tpu.memref_squeeze %get3A_283 : memref<1x80x128xbf16, #tpu.memory_space<vmem>> -> memref<80x128xbf16, #tpu.memory_space<vmem>>
        %get3A_285 = arith.index_cast %add3A_255 : i32 to index
        %get3A_286 = arith.constant 32 : index
        %get3A_287 = tpu.vector_load %get3A_284[%get3A_285, %get3A_286] {strides = array<i32>} : memref<80x128xbf16, #tpu.memory_space<vmem>>, vector<32xbf16>,
        %mul3A_288 = arith.mulf %get3A_280, %get3A_287 : vector<32xbf16>
        %add3A_289 = arith.addf %add3A_273, %mul3A_288 : vector<32xbf16>
        %get3A_290 = arith.constant 0 : i32
        %get3A_291 = arith.constant 0 : i32
        %get3A_292 = tpu.memref_slice %arg7[%scan3A_140, %get3A_290, %get3A_291] : memref<3x80x128xbf16, #tpu.memory_space<vmem>> -> memref<1x80x128xbf16, #tpu.memory_space<vmem>>
        %get3A_293 = tpu.memref_squeeze %get3A_292 : memref<1x80x128xbf16, #tpu.memory_space<vmem>> -> memref<80x128xbf16, #tpu.memory_space<vmem>>
        %get3A_294 = arith.index_cast %add3A_255 : i32 to index
        %get3A_295 = arith.constant 64 : index
        %get3A_296 = tpu.vector_load %get3A_293[%get3A_294, %get3A_295] {strides = array<i32>} : memref<80x128xbf16, #tpu.memory_space<vmem>>, vector<32xbf16>,
        %get3A_297 = arith.constant 0 : i32
        %get3A_298 = arith.constant 0 : i32
        %get3A_299 = tpu.memref_slice %arg8[%scan3A_141, %get3A_297, %get3A_298] : memref<3x80x128xbf16, #tpu.memory_space<vmem>> -> memref<1x80x128xbf16, #tpu.memory_space<vmem>>
        %get3A_300 = tpu.memref_squeeze %get3A_299 : memref<1x80x128xbf16, #tpu.memory_space<vmem>> -> memref<80x128xbf16, #tpu.memory_space<vmem>>
        %get3A_301 = arith.index_cast %add3A_255 : i32 to index
        %get3A_302 = arith.constant 64 : index
        %get3A_303 = tpu.vector_load %get3A_300[%get3A_301, %get3A_302] {strides = array<i32>} : memref<80x128xbf16, #tpu.memory_space<vmem>>, vector<32xbf16>,
        %mul3A_304 = arith.mulf %get3A_296, %get3A_303 : vector<32xbf16>
        %add3A_305 = arith.addf %add3A_289, %mul3A_304 : vector<32xbf16>
        %get3A_306 = arith.constant 0 : i32
        %get3A_307 = arith.constant 0 : i32
        %get3A_308 = tpu.memref_slice %arg7[%scan3A_140, %get3A_306, %get3A_307] : memref<3x80x128xbf16, #tpu.memory_space<vmem>> -> memref<1x80x128xbf16, #tpu.memory_space<vmem>>
        %get3A_309 = tpu.memref_squeeze %get3A_308 : memref<1x80x128xbf16, #tpu.memory_space<vmem>> -> memref<80x128xbf16, #tpu.memory_space<vmem>>
        %get3A_310 = arith.index_cast %add3A_255 : i32 to index
        %get3A_311 = arith.constant 96 : index
        %get3A_312 = tpu.vector_load %get3A_309[%get3A_310, %get3A_311] {strides = array<i32>} : memref<80x128xbf16, #tpu.memory_space<vmem>>, vector<32xbf16>,
        %get3A_313 = arith.constant 0 : i32
        %get3A_314 = arith.constant 0 : i32
        %get3A_315 = tpu.memref_slice %arg8[%scan3A_141, %get3A_313, %get3A_314] : memref<3x80x128xbf16, #tpu.memory_space<vmem>> -> memref<1x80x128xbf16, #tpu.memory_space<vmem>>
        %get3A_316 = tpu.memref_squeeze %get3A_315 : memref<1x80x128xbf16, #tpu.memory_space<vmem>> -> memref<80x128xbf16, #tpu.memory_space<vmem>>
        %get3A_317 = arith.index_cast %add3A_255 : i32 to index
        %get3A_318 = arith.constant 96 : index
        %get3A_319 = tpu.vector_load %get3A_316[%get3A_317, %get3A_318] {strides = array<i32>} : memref<80x128xbf16, #tpu.memory_space<vmem>>, vector<32xbf16>,
        %mul3A_320 = arith.mulf %get3A_312, %get3A_319 : vector<32xbf16>
        %add3A_321 = arith.addf %add3A_305, %mul3A_320 : vector<32xbf16>
        %unpack3A_322 = tpu.unpack_subelements %add3A_321, 0 {pack_format = #tpu.pack_format<interleaved>} : vector<32xbf16> -> vector<16xf32>
        %unpack3A_323 = tpu.unpack_subelements %add3A_321, 1 {pack_format = #tpu.pack_format<interleaved>} : vector<32xbf16> -> vector<16xf32>
        %mul3A_324 = arith.constant 2 : i32
        %mul3A_325 = arith.muli %mul3A_324, %scan3A_164 : i32
        %add3A_326 = arith.constant 1 : i32
        %add3A_327 = arith.addi %mul3A_325, %add3A_326 : i32
        %eq3A_328 = vector.broadcast %add3A_327 : i32 to vector<16xi32>
        %eq3A_329 = arith.cmpi eq, %iota3A, %eq3A_328 : vector<16xi32>
        %add3A_330 = arith.addf %unpack3A_322, %unpack3A_323 : vector<16xf32>
        %reduce_sum3A_331 = arith.constant true
        %reduce_sum3A_332 = vector.broadcast %reduce_sum3A_331 : i1 to vector<16xi1>
        %reduce_sum3A_333 = tpu.scan <sum>, %add3A_330 masked %reduce_sum3A_332 : vector<16xf32>, vector<16xi1> -> vector<16xf32>
        %reduce_sum3A_334 = vector.extract %reduce_sum3A_333[15] : f32 from vector<16xf32>
        %broadcast_in_dim3A_335 = vector.broadcast %reduce_sum3A_334 : f32 to vector<16xf32>
        %select_n3A_336 = arith.select %eq3A_329, %broadcast_in_dim3A_335, %select_n3A : vector<16xi1>, vector<16xf32>
        scf.yield %select_n3A_336 : vector<16xf32>
      }
      %scan3A_157 = arith.constant 8 : i32
      %mul3A_158 = arith.constant 16 : i32
      %mul3A_159 = arith.muli %scan3A_149, %mul3A_158 : i32
      %add3A_160 = arith.constant 9920 : i32
      %add3A_161 = arith.addi %add3A_160, %mul3A_159 : i32
      %swap3A = arith.index_cast %add3A_161 : i32 to index
      %swap3A_162 = tpu.vector_load %arg9[%swap3A] {strides = array<i32>} : memref<10000xf32, #tpu.memory_space<vmem>>, vector<16xf32>,
      tpu.vector_store %arg9[%swap3A], %scan3A_156 {strides = array<i32>} : memref<10000xf32, #tpu.memory_space<vmem>>, vector<16xf32>,
      %scan3A_163 = arith.constant 0 : i32
      scf.yield %scan3A_163 : i32
    }
    %scan3A_148 = arith.constant 5 : i32
    "tpu.region"() ({
      %run_scoped3A = tpu.sem_alloc : memref<!tpu.dma_semaphore, #tpu.memory_space<semaphore_mem>>
      %dma_start3A_149 = tpu.memref_slice %arg4[%mul3A_2] : memref<320000xf32, #tpu.memory_space<hbm>> -> memref<10000xf32, #tpu.memory_space<hbm>>
      %dma_start3A_150 = tpu.memref_slice %arg4[%mul3A_2] : memref<320000xf32, #tpu.memory_space<hbm>> -> memref<10000xf32, #tpu.memory_space<hbm>>
      tpu.enqueue_dma source(%arg9 : memref<10000xf32, #tpu.memory_space<vmem>>) target(%dma_start3A_150 : memref<10000xf32, #tpu.memory_space<hbm>>) target_semaphore(%run_scoped3A : memref<!tpu.dma_semaphore, #tpu.memory_space<semaphore_mem>>)
      %dma_wait3A_151 = tpu.memref_slice %arg4[%mul3A_2] : memref<320000xf32, #tpu.memory_space<hbm>> -> memref<10000xf32, #tpu.memory_space<hbm>>
      %dma_wait3A_152 = tpu.memref_slice %arg4[%mul3A_2] : memref<320000xf32, #tpu.memory_space<hbm>> -> memref<10000xf32, #tpu.memory_space<hbm>>
      tpu.wait_dma2 semaphore(%run_scoped3A : memref<!tpu.dma_semaphore, #tpu.memory_space<semaphore_mem>>) src(%arg9 : memref<10000xf32, #tpu.memory_space<vmem>>) dst(%dma_wait3A_152 : memref<10000xf32, #tpu.memory_space<hbm>>)
      tpu.yield
    }) : () -> ()
    return
  }
}

</mosaic_0001>

<sc_bundles>
// kernel: _decode.3.cloned.1.call-start
scs
__scs_entry_jumppad:
0x0: {  	(pc) =	sbr.rel $0x88, $3  }
0x1: {  	(tag) =	ssettag $0x0;
	lr =	simm.s32 $0x1  }
0x2: {  	[smem:$0x3F9F] =	sst lr;
	_ =	strace $0xD0000000  }
0x3: {  	_ = 	snop  }
0x4: {  	_ = 	snop  }
0x5: {  	_ = 	snop  }
0x6: {  	_ = 	snop  }
0x7: {  	_ = 	snop  }
__scs_overlays_trampoline_lowered:
0x8: {  	[smem:$0x3FAE] =	sst s0  }
0x9: {  	[smem:$0x3FAF] =	sst s1  }
0xa: {  	[smem:$0x3FB0] =	sst s2  }
0xb: {  	[smem:$0x3FB1] =	sst s3  }
0xc: {  	[smem:$0x3FB2] =	sst s4  }
0xd: {  	[smem:$0x3FB3] =	sst s5  }
0xe: {  	[smem:$0x3FB4] =	sst s6  }
0xf: {  	[smem:$0x3FB5] =	sst s7  }
0x10: {  	[smem:$0x3FB6] =	sst s8  }
0x11: {  	[smem:$0x3FB7] =	sst s9;
	s0 =	simm.s32 @!p0 $0x0  }
0x12: {  	s1 =	sld [smem:$0x3F9D];
	s0 =	simm.s32 @p0 $0x1  }
0x13: {  	[smem:$0x3FB8] =	sst s0;
	s0 =	simm.s32 @!p1 $0x0  }
0x14: {  	s2 =	sld [smem:$0x3F9C];
	s0 =	simm.s32 @p1 $0x1  }
0x15: {  	[smem:$0x3FB9] =	sst s0;
	s0 =	simm.s32 @!p2 $0x0  }
0x16: {  	s3 =	sld [smem:$0x3FDB];
	s0 =	simm.s32 @p2 $0x1  }
0x17: {  	s4 =	simm.s32 $0x1BF5;
	[smem:$0x3FBB] =	sst s0  }
0x18: {  	s0 =	sld [smem:$0x3F9E];
	_ =	swait.ge [sflag:s4], $0x0  }
0x19: {  	s7 =	sld [smem:$0x3F9F]  }
0x1a: {  	s8 =	sadd.s32 $0xFFFFE003, lr  }
0x1b: {  	s9 =	sadd.s32 $0xFFFFFEF7, lr;
	s5 =	simm.s32 $0xFFFFFFFF;
	p2 =	slt.u32 s8, $0xFFFFF086  }
0x1c: {  	p1 =	slt.u32 s9, $0xF7A;
	s5 =	simm.s32 @!p2 $0x0  }
0x1d: {  	s5 =	simm.s32 @p1 $0x1;
	p0 =	seq.s32 s7, s2  }
0x1e: {  	s7 =	smul.u32 @!p0 $0xF7A, s2;
	p2 =	seq.s32 @!p0 s5, $0x0  }
0x1f: {  	s9 =	smul.u32 $0xF7A, s1;
	s8 =	simm.s32 @!p0 $0x1BF5;
	p2 =	por !p2, p0  }
0x20: {  	[sflag:s8] =	ssyncset.s32 @!p0 $0xFFFFF086;
	s6 =	sadd.s32 @!p0 s3, s7;
	s7 =	simm.s32 @!p0 $0x108  }
0x21: {  	s3 =	sadd.s32 s3, s9;
	s6 =	sadd.s32 @!p0 $0x88, s6;
	s7 =	simm.s32 @p2 $0x1082  }
0x22: {  	[simem:s7], [sflag:s8] =	dma.local @!p0 [hbm:s6], $0xF7A  }
0x23: {  	s9 =	sor.u32 $0xD0000000, s2;
	s6 =	simm.s32 $0x108;
	_ =	swait.ge @!p0 [sflag:s8], $0x0  }
0x24: {  	s3 =	sadd.s32 $0x88, s3;
	s6 =	simm.s32 @!p1 $0x1082;
	[sflag:s4] =	ssyncset.s32 $0xFFFFF086  }
0x25: {  	[simem:s6], [sflag:s4] =	dma.local [hbm:s3], $0xF7A  }
0x26: {  	[smem:$0x3F9F] =	sst s1;
	(tag) =	ssettag s2;
	_ =	strace s9  }
0x27: {  	s1 =	sld [smem:$0x3FAF]  }
0x28: {  	s2 =	sld [smem:$0x3FB0]  }
0x29: {  	s4 =	sld [smem:$0x3FB2]  }
0x2a: {  	p0 =	seq.s32 s5, $0x0;
	s5 =	sld [smem:$0x3FB3]  }
0x2b: {  	s6 =	sld [smem:$0x3FB4]  }
0x2c: {  	s7 =	sld [smem:$0x3FB5]  }
0x2d: {  	s3 =	simm.s32 $0x108;
	s8 =	sld [smem:$0x3FB6]  }
0x2e: {  	s3 =	simm.s32 @!p0 $0x1082;
	s9 =	sld [smem:$0x3FB7]  }
0x2f: {  	lr =	sadd.s32 s0, s3;
	s0 =	sld [smem:$0x3FAE]  }
0x30: {  	s3 =	sld [smem:$0x3FB1]  }
0x31: {  	[smem:$0x3FBA] =	sst s10  }
0x32: {  	s10 =	sld [smem:$0x3FB8];
	_ =	sdelay $0x3  }
0x33: {  	p0 =	seq.s32 s10, $0x1;
	s10 =	sld [smem:$0x3FBA];
	_ =	sdelay $0x3  }
0x34: {  	[smem:$0x3FBA] =	sst s10  }
0x35: {  	s10 =	sld [smem:$0x3FB9];
	_ =	sdelay $0x3  }
0x36: {  	p1 =	seq.s32 s10, $0x1;
	s10 =	sld [smem:$0x3FBA];
	_ =	sdelay $0x3  }
0x37: {  	[smem:$0x3FBA] =	sst s10  }
0x38: {  	s10 =	sld [smem:$0x3FBB]  }
0x39: {  	_ = 	snop;
	(pc) =	sbr.ind lr, $3  }
0x3a: {  	_ = 	snop  }
0x3b: {  	_ = 	snop  }
0x3c: {  	p2 =	seq.s32 s10, $0x1;
	s10 =	sld [smem:$0x3FBA]  }
0x3d: {  	_ =	shalt  }
0x3e: {  	_ =	shalt  }
0x3f: {  	_ =	shalt  }
0x40: {  	_ =	shalt  }
0x41: {  	_ =	shalt  }
0x42: {  	_ =	shalt  }
0x43: {  	_ =	shalt  }
0x44: {  	_ =	shalt  }
0x45: {  	_ =	shalt  }
0x46: {  	_ =	shalt  }
0x47: {  	_ =	shalt  }
0x48: {  	_ =	shalt  }
0x49: {  	_ =	shalt  }
0x4a: {  	_ =	shalt  }
0x4b: {  	_ =	shalt  }
0x4c: {  	_ =	shalt  }
0x4d: {  	_ =	shalt  }
0x4e: {  	_ =	shalt  }
0x4f: {  	_ =	shalt  }
0x50: {  	_ =	shalt  }
0x51: {  	_ =	shalt  }
0x52: {  	_ =	shalt  }
0x53: {  	_ =	shalt  }
0x54: {  	_ =	shalt  }
0x55: {  	_ =	shalt  }
0x56: {  	_ =	shalt  }
0x57: {  	_ =	shalt  }
0x58: {  	_ =	shalt  }
0x59: {  	_ =	shalt  }
0x5a: {  	_ =	shalt  }
0x5b: {  	_ =	shalt  }
0x5c: {  	_ =	shalt  }
0x5d: {  	_ =	shalt  }
0x5e: {  	_ =	shalt  }
0x5f: {  	_ =	shalt  }
0x60: {  	_ =	shalt  }
0x61: {  	_ =	shalt  }
0x62: {  	_ =	shalt  }
0x63: {  	_ =	shalt  }
0x64: {  	_ =	shalt  }
0x65: {  	_ =	shalt  }
0x66: {  	_ =	shalt  }
0x67: {  	_ =	shalt  }
0x68: {  	_ =	shalt  }
0x69: {  	_ =	shalt  }
0x6a: {  	_ =	shalt  }
0x6b: {  	_ =	shalt  }
0x6c: {  	_ =	shalt  }
0x6d: {  	_ =	shalt  }
0x6e: {  	_ =	shalt  }
0x6f: {  	_ =	shalt  }
0x70: {  	_ =	shalt  }
0x71: {  	_ =	shalt  }
0x72: {  	_ =	shalt  }
0x73: {  	_ =	shalt  }
0x74: {  	_ =	shalt  }
0x75: {  	_ =	shalt  }
0x76: {  	_ =	shalt  }
0x77: {  	_ =	shalt  }
0x78: {  	_ =	shalt  }
0x79: {  	_ =	shalt  }
0x7a: {  	_ =	shalt  }
0x7b: {  	_ =	shalt  }
0x7c: {  	_ =	shalt  }
0x7d: {  	_ =	shalt  }
0x7e: {  	_ =	shalt  }
0x7f: {  	_ =	shalt  }
0x80: {  	_ =	shalt  }
0x81: {  	_ =	shalt  }
0x82: {  	_ =	shalt  }
0x83: {  	_ =	shalt  }
0x84: {  	_ =	shalt  }
0x85: {  	_ =	shalt  }
0x86: {  	_ =	shalt  }
0x87: {  	_ =	shalt  }
.Lfunc_end0:
.L_simem_size_0:
called_computation_lowered:
.L_overlay_start_0:
0x88: {  	s2 =	sld [smem:$0x3FD9]  }
0x89: {  	s3 =	sld [smem:$0x3FFE];
	_ =	sdelay $0x1  }
0x8a: {  	s1 =	srdreg.scid  }
0x8b: {  	s0 =	sand.u32 $0x1, s1  }
0x8c: {  	s17 =	sshll.u32 s0, $0xA;
	s2 =	sadd.s32 s3, s2  }
0x8d: {  	s2 =	sadd.s32 s2, s17  }
0x8e: {  	[smem:$0x3FC6] =	sst s2  }
0x8f: {  	_ = 	snop  }
0x90: {  	s2 =	sld [smem:$0x3FD0];
	(tm) =	ssettm $0x1  }
0x91: {  	s18 =	sld [smem:$0x3FFB];
	_ =	sdelay $0x3  }
0x92: {  	_ =	strace s18  }
0x93: {  	s3 =	sld [smem:$0x3FFC];
	_ =	sdelay $0x3  }
0x94: {  	_ =	strace s3  }
0x95: {  	s3 =	sld [smem:$0x3FFD];
	_ =	sdelay $0x3  }
0x96: {  	_ =	strace s3  }
0x97: {  	_ =	strace $0x8FFFFFFF  }
0x98: {  	s19 =	sld [smem:$0x3FDB];
	_ =	sdelay $0x1  }
0x99: {  	s4 =	simm.s32 $_scs_section_size  }
0x9a: {  	s5 =	simm.s32 $_size__tile_overlayer_lowered;
	s6 =	simm.s32 $_tile_overlayer_lowered  }
0x9b: {  	s22 =	simm.s32 $0x1BFF;
	s21 =	sshll.u32 s6, $0x1;
	s3 =	sadd.s32 s4, s19  }
0x9c: {  	s7 =	simm.s32 $0x0;
	s20 =	sshll.u32 s5, $0x1;
	s5 =	sadd.s32 s21, s3  }
0x9d: {  	[timem:s7], [sflag:s22] =	dma.local [hbm:s5], s20  }
0x9e: {  	_ =	swait.ge [sflag:s22], s20  }
0x9f: {  	s4 =	ssub.s32 $0x0, s20;
	[sflag:s22] =	ssyncset.done $0x0  }
0xa0: {  	[sflag:s22] =	ssyncadd.s32 s4;
	_ =	sdelay $0x1  }
0xa1: {  	s23 =	simm.s32 $0x1B8B  }
0xa2: {  	_ =	swait.ge [sflag:s23], $0x1  }
0xa3: {  	[sflag:s23] =	ssyncset.done $0x0  }
0xa4: {  	s25 =	simm.s32 $0x1B8E;
	s24 =	sld [smem:$0x3FFE];
	[sflag:s23] =	ssyncadd.s32 $0xFFFFFFFF  }
0xa5: {  	s26 =	simm.s32 $execute0_lowered;
	[smem:$0x3FD2] =	sst s25  }
0xa6: {  	s5 =	sshll.u32 s26, $0x1;
	_ =	strace $0x80000046;
	[dreg:$0x1] =	wrdreg $0xFFFFFFFF  }
0xa7: {  	s28 =	simm.s32 $_size_execute0_lowered;
	s3 =	sadd.s32 s3, s5;
	[dreg:$0x0] =	wrdreg $0x0  }
0xa8: {  	s5 =	sshll.u32 s28, $0x1;
	[dreg:$0x2] =	wrdreg s3  }
0xa9: {  	[dreg:$0x3] =	wrdreg s5  }
0xaa: {  	[dreg:$0x4] =	wrdreg $0xC0  }
0xab: {  	_ =	task [dreg:s7], $0x5FFFF  }
0xac: {  	[dreg:$0x1] =	wrdreg $0xFFFFFFFF  }
0xad: {  	[dreg:$0x0] =	wrdreg $0x60  }
0xae: {  	[dreg:$0x2] =	wrdreg s24  }
0xaf: {  	[dreg:$0x3] =	wrdreg s2  }
0xb0: {  	[dreg:$0x4] =	wrdreg $0x9  }
0xb1: {  	_ =	task.clear_ibuf [dreg:s7], $0x5FFFF;
	_ =	strace $0x90000046  }
0xb2: {  	s29 =	simm.s32 $0x9;
	_ =	strace $0x80000048  }
0xb3: {  	_ =	swait.ge [sflag:s29], $0x1  }
0xb4: {  	[sflag:s29] =	ssyncadd.s32 $0xFFFFFFFF  }
0xb5: {  	_ =	strace $0x90000048  }
0xb6: {  	_ =	sfence  }
0xb7: {  	s30 =	sld [smem:$0x0];
	_ =	sdelay $0x2  }
0xb8: {  	s31 =	sshll.u32 s1, $0xD;
	s1 =	sshrl.u32 s1, $0x2  }
0xb9: {  	s3 =	sand.u32 $0x4000, s31;
	s1 =	sadd.s32 s1, s30  }
0xba: {  	s0 =	sor.u32 s3, s0;
	s1 =	sshll.u32 s1, $0x11  }
0xbb: {  	s0 =	sor.u32 s1, s0  }
0xbc: {  	s0 =	sadd.s32 $0x8F2B, s0  }
0xbd: {  	[sflag:s0] =	ssyncadd.remote.s32 $0x1  }
0xbe: {  	_ =	sfence.sel $0xFFFF  }
0xbf: {  	[dreg:$0x0] =	wrdreg $0xFFFFFFFF;
	(pc) =	sbr.abs _section_cstart, $3  }
0xc0: {  	[dreg:$0x1] =	wrdreg $0xFFFFFFFF  }
0xc1: {  	_ =	task.clear_ibuf [dreg:s7], $0x2FFFF;
	_ =	strace $0x9FFFFFFF  }
0xc2: {  	(tm) =	ssettm $0x7FFFFFFF  }
0xc3: {  	_ =	shalt  }
tec
execute0_lowered:
.L_overlay_start_1:
0x0: {  	(tag) =	ssettag $0x1  }
0x1: {  	s0 =	srdreg.scid;
	s1 =	rddreg [dreg:$0x0]  }
0x2: {  	s2 =	stileid.u32;
	s6 =	rddreg [dreg:$0x1]  }
0x3: {  	s9 =	simm.s32 $0x4;
	s10 =	simm.s32 $0x50;
	s11 =	simm.s32 $0x4E20  }
0x4: {  	s12 =	simm.s32 $0x8A20;
	s13 =	simm.s32 $0x6220;
	s15 =	simm.s32 $0x9E20  }
0x5: {  	s16 =	simm.s32 $0x1;
	s17 =	simm.s32 $0x7620;
	s18 =	simm.s32 $0xB220  }
0x6: {  	s19 =	simm.s32 $0x2;
	s0 =	sand.u32 $0x1, s0;
	s2 =	sshll.u32 s2, $0x1  }
0x7: {  	s20 =	simm.s32 $0x3;
	s22 =	simm.s32 $0x5;
	s3 =	sor.u32 s0, s2  }
0x8: {  	s2 =	simm.s32 $0x0;
	s0 =	ssub.s32 $0x2, s0;
	s3 =	smul.u32 $0x2710, s3  }
0x9: {  	s23 =	simm.s32 $0x0;
	[smem:$0x7FF] =	sst s2;
	s4 =	sshrl.u32 s0, $0x1  }
0xa: {  	_ =	strace $0x80000047;
	s0 =	ssub.s32 s0, s4;
	s7 =	sshrl.u32 s3, $0x3  }
0xb: {  	s3 =	sadd.s32 $0x600, s1;
	s1 =	sadd.s32 s7, s1;
	s6 =	sadd.s32 s6, s7  }
0xc: {  	v0 =	vimm.bf16 $0.0e+00;
	v1 =	vlaneseq.u32;
	s7 =	smax.u32 s0, $0x1;
	s4 =	sadd.s32 $0x14000, s1;
	s5 =	sadd.s32 $0x1DC40, s1  }
.LBB2_1:
0xd: {  	[tilespmem:s2], [sflag:$0x4] =	stream.linear.gather [hbm4b:s4+s2], $0x2710, $0x38;
	[tilespmem:$0xED30] =	vst v63  }
0xe: {  	s0 =	simm.s32 $0x2710  }
0xf: {  	[tilespmem:s0], [sflag:$0x4] =	stream.linear.gather [hbm4b:s5+s2], $0x2710, $0x38;
	[tilespmem:$0xED30] =	vst v63  }
0x10: {  	_ =	swait.ge [sflag:s9], $0x2710  }
0x11: {  	[sflag:s9] =	ssyncset.done $0x0  }
0x12: {  	[sflag:s9] =	ssyncadd.s32 $0xFFFFD8F0  }
0x13: {  	_ =	swait.ge [sflag:s9], $0x2710  }
0x14: {  	[sflag:s9] =	ssyncset.done $0x0  }
0x15: {  	[sflag:s9] =	ssyncadd.s32 $0xFFFFD8F0  }
0x16: {  	[tilespmem:s11], [sflag:$0x1] =	stream.indirect.gather [hbm4b:s3+s10], $0x40, s2, s10, $0xb8;
	[tilespmem:$0xED30] =	vst v63  }
0x17: {  	_ = 	snop  }
0x18: {  	[tilespmem:s12], [sflag:$0x1] =	stream.indirect.gather [hbm4b:s3+s10], $0x40, s0, s10, $0xb8;
	[tilespmem:$0xED30] =	vst v63  }
0x19: {  	_ = 	snop  }
0x1a: {  	[tilespmem:s13], [sflag:$0x2] =	stream.indirect.gather [hbm4b:s3+s10], $0x40, s10, s10, $0xb8;
	[tilespmem:$0xED30] =	vst v63  }
0x1b: {  	s31 =	simm.s32 $0x2760;
	s24 =	simm.s32 $0x0  }
0x1c: {  	[tilespmem:s15], [sflag:$0x2] =	stream.indirect.gather [hbm4b:s3+s10], $0x40, s31, s10, $0xb8;
	[tilespmem:$0xED30] =	vst v63  }
.LBB2_2:
0x1d: {  	_ =	swait.ge [sflag:s16], $0x1400  }
0x1e: {  	s0 =	smul.u32 $0x3C0, s24;
	[sflag:s16] =	ssyncset.done $0x0  }
0x1f: {  	[sflag:s16] =	ssyncadd.s32 $0xFFFFEC00  }
0x20: {  	s28 =	sshra.s32 s0, $0x2;
	_ =	swait.ge [sflag:s16], $0x1400  }
0x21: {  	s25 =	simm.s32 $0x0;
	s0 =	sadd.s32 $0xC620, s28;
	[sflag:s16] =	ssyncset.done $0x0  }
0x22: {  	s26 =	simm.s32 $0x8A60;
	s29 =	simm.s32 $0x4E60;
	v2 =	vmov s0;
	[sflag:s16] =	ssyncadd.s32 $0xFFFFEC00  }
.LBB2_3:
0x23: {  	v4 =	vld [tilespmem:s29+$0x30]  }
0x24: {  	v5 =	vld [tilespmem:s26+$0x30]  }
0x25: {  	v3 =	vld [tilespmem:s29+$0x20]  }
0x26: {  	v6 =	vld [tilespmem:s26+$0x20]  }
0x27: {  	v7 =	vld [tilespmem:s29+$0x10]  }
0x28: {  	v8 =	vld [tilespmem:s29+$0x0]  }
0x29: {  	v9 =	vld [tilespmem:s26+$0x0]  }
0x2a: {  	v10 =	vld [tilespmem:s26+$0x10]  }
0x2b: {  	v11 =	vld [tilespmem:s29+$0xFFFFFFC0]  }
0x2c: {  	v12 =	vld [tilespmem:s26+$0xFFFFFFC0]  }
0x2d: {  	v13 =	vld [tilespmem:s29+$0xFFFFFFD0]  }
0x2e: {  	v14 =	vld [tilespmem:s26+$0xFFFFFFD0]  }
0x2f: {  	v15 =	vld [tilespmem:s26+$0xFFFFFFE0];
	v8 =	vmul.bf16 v9, v8  }
0x30: {  	v9 =	vld [tilespmem:s29+$0xFFFFFFE0]  }
0x31: {  	v7 =	vmul.bf16 v10, v7;
	v10 =	vmul.bf16 v12, v11;
	v11 =	vld [tilespmem:s29+$0xFFFFFFF0];
	v8 =	vadd.bf16 v0, v8  }
0x32: {  	v12 =	vld [tilespmem:s26+$0xFFFFFFF0]  }
0x33: {  	s31 =	sadd.s32 $0x80, s29;
	v7 =	vadd.bf16 v7, v8;
	v8 =	vmul.bf16 v6, v3  }
0x34: {  	v13 =	vmul.bf16 v14, v13;
	v4 =	vmul.bf16 v5, v4;
	v5 =	vld [tilespmem:s31+$0x20];
	v10 =	vadd.bf16 v0, v10  }
0x35: {  	s1 =	sadd.s32 $0x80, s26;
	v6 =	vld [tilespmem:s31+$0x30];
	v8 =	vadd.bf16 v8, v7  }
0x36: {  	v3 =	vld [tilespmem:s1+$0x30];
	v10 =	vadd.bf16 v13, v10;
	v9 =	vmul.bf16 v15, v9  }
0x37: {  	v12 =	vmul.bf16 v12, v11;
	v11 =	vld [tilespmem:s1+$0x0];
	v4 =	vadd.bf16 v4, v8  }
0x38: {  	v7 =	vld [tilespmem:s1+$0x20];
	v10 =	vadd.bf16 v9, v10  }
0x39: {  	v9 =	vld [tilespmem:s31+$0x0];
	v13 =	vunpack.i.u.bf16.f32 v4;
	v4 =	vunpack.i.l.bf16.f32 v4  }
0x3a: {  	v8 =	vld [tilespmem:s31+$0x10];
	v14 =	vadd.bf16 v12, v10;
	v13 =	vadd.f32 v4, v13  }
0x3b: {  	v10 =	vld [tilespmem:s1+$0x10]  }
0x3c: {  	v12 =	vld [tilespmem:s31+$0xFFFFFFC0];
	v15 =	vunpack.i.u.bf16.f32 v14;
	v16 =	vunpack.i.l.bf16.f32 v14;
	(xrf2) =	vadd.scan.msk.f32 $0xffff, v13  }
0x3d: {  	s30 =	simm.s32 $0x2;
	s14 =	simm.s32 $0x4;
	s0 =	simm.s32 $0x0;
	v4 =	vimm.f32 $0.0e+00;
	v14 =	vld [tilespmem:s1+$0xFFFFFFC0];
	v13 =	vadd.f32 v16, v15  }
.LBB2_4:
0x3e: {  	p0 =	sne.s32 s14, $0xE;
	v15 =	vld [tilespmem:s31+$0xFFFFFFD0]  }
0x3f: {  	v16 =	vld [tilespmem:s1+$0xFFFFFFD0];
	v9 =	vmul.bf16 v11, v9;
	(xrf2) =	vadd.scan.msk.f32 $0xffff, v13  }
0x40: {  	v11 =	vld [tilespmem:s31+$0xFFFFFFE0]  }
0x41: {  	v8 =	vmul.bf16 v10, v8;
	v13 =	vld [tilespmem:s1+$0xFFFFFFE0];
	v9 =	vadd.bf16 v0, v9  }
0x42: {  	v10 =	vmul.bf16 v14, v12;
	v12 =	vld [tilespmem:s31+$0xFFFFFFF0]  }
0x43: {  	v5 =	vmul.bf16 v7, v5;
	s31 =	sadd.s32 $0x80, s31;
	v14 =	vld [tilespmem:s1+$0xFFFFFFF0];
	v8 =	vadd.bf16 v8, v9  }
0x44: {  	s1 =	sadd.s32 $0x80, s1;
	v17 =	vld [tilespmem:s31+$0x30];
	v7 =	vadd.bf16 v0, v10;
	v9 =	vmul.bf16 v16, v15  }
0x45: {  	v6 =	vmul.bf16 v3, v6;
	v8 =	vadd.bf16 v5, v8;
	v3 =	vld [tilespmem:s1+$0x30]  }
0x46: {  	v5 =	vld [tilespmem:s31+$0x20];
	v9 =	vadd.bf16 v9, v7;
	v10 =	vmul.bf16 v13, v11;
	v13, _, _ =	vpop (xrf2)  }
0x47: {  	v7 =	vld [tilespmem:s1+$0x20];
	v21 =	vadd.bf16 v6, v8  }
0x48: {  	s21 =	sadd.s32 $0x1, s0;
	v8 =	vld [tilespmem:s31+$0x10];
	v10 =	vadd.bf16 v10, v9;
	v12 =	vmul.bf16 v14, v12;
	v14 =	vmov s0;
	s0 =	smov.u32 s30;
	s30 =	smov.u32 s14  }
.Ltmp0:
0x49: {  	v16 =	vmov s21;
	v9 =	vld [tilespmem:s31+$0x0];
	v15 =	vunpack.i.u.bf16.f32 v21;
	v20 =	vunpack.i.l.bf16.f32 v21;
	v18, _, _ =	vpop (xrf2);
	(pc) =	sbr.rel @p0 .LBB2_4-.Ltmp0, $4  }
0x4a: {  	v6 =	vmovc v17;
	v11 =	vld [tilespmem:s1+$0x0];
	v19 =	vadd.bf16 v12, v10;
	v15 =	vadd.f32 v20, v15;
	v18 =	vbroadcast v18, $0xF  }
0x4b: {  	vm1 =	veq.s32 v16, v1;
	v16 =	vbroadcast v13, $0xF;
	vm0 =	veq.s32 v14, v1;
	v10 =	vld [tilespmem:s1+$0x10]  }
0x4c: {  	v12 =	vld [tilespmem:s31+$0xFFFFFFC0];
	v13 =	vunpack.i.u.bf16.f32 v19;
	v17 =	vunpack.i.l.bf16.f32 v19;
	(xrf2) =	vadd.scan.msk.f32 $0xffff, v15;
	v4 =	vsel vm0, v18, v4  }
0x4d: {  	s14 =	sadd.s32 $0x2, s14;
	v14 =	vld [tilespmem:s1+$0xFFFFFFC0];
	v13 =	vadd.f32 v17, v13;
	v4 =	vsel vm1, v16, v4  }
0x4e: {  	v15 =	vld [tilespmem:s31+$0xFFFFFFD0]  }
0x4f: {  	v16 =	vld [tilespmem:s1+$0xFFFFFFD0]  }
0x50: {  	v17 =	vld [tilespmem:s31+$0xFFFFFFE0]  }
0x51: {  	v46 =	vld [tilespmem:s1+$0xFFFFFFE0];
	v9 =	vmul.bf16 v11, v9  }
0x52: {  	v47 =	vld [tilespmem:s31+$0xFFFFFFF0];
	v12 =	vmul.bf16 v14, v12  }
0x53: {  	v48 =	vld [tilespmem:s1+$0xFFFFFFF0];
	v8 =	vmul.bf16 v10, v8;
	v9 =	vadd.bf16 v0, v9  }
0x54: {  	v15 =	vmul.bf16 v16, v15;
	v12 =	vadd.bf16 v0, v12  }
0x55: {  	v5 =	vmul.bf16 v7, v5;
	v8 =	vadd.bf16 v8, v9  }
0x56: {  	v50 =	vmul.bf16 v46, v17;
	v49 =	vadd.bf16 v15, v12  }
0x57: {  	v3 =	vmul.bf16 v3, v6;
	v5 =	vadd.bf16 v5, v8  }
0x58: {  	v52 =	vmul.bf16 v48, v47;
	v51 =	vadd.bf16 v50, v49  }
0x59: {  	v3 =	vadd.bf16 v3, v5  }
0x5a: {  	v53 =	vadd.bf16 v52, v51  }
0x5b: {  	v54 =	vunpack.i.u.bf16.f32 v3;
	v3 =	vunpack.i.l.bf16.f32 v3  }
0x5c: {  	v3 =	vadd.f32 v3, v54;
	v55 =	vunpack.i.u.bf16.f32 v53;
	v5 =	vunpack.i.l.bf16.f32 v53  }
0x5d: {  	(xrf2) =	vadd.scan.msk.f32 $0xffff, v13;
	v5 =	vadd.f32 v5, v55  }
0x5e: {  	(xrf2) =	vadd.scan.msk.f32 $0xffff, v3  }
0x5f: {  	(xrf2) =	vadd.scan.msk.f32 $0xffff, v5;
	_ =	sdelay $0x6  }
0x60: {  	v3, _, _ =	vpop (xrf2)  }
0x61: {  	v57 =	vmov s0;
	s21 =	sadd.s32 $0x1, s0;
	v56, _, _ =	vpop (xrf2)  }
0x62: {  	v61 =	vmov s30;
	s30 =	sadd.s32 $0x1, s30;
	s31 =	sshll.u32 s25, $0x4;
	s25 =	sadd.s32 $0x1, s25;
	v58 =	vmov s21;
	v5 =	vbroadcast v56, $0xF;
	v59, _, _ =	vpop (xrf2)  }
0x63: {  	vm0 =	veq.s32 v57, v1;
	v62 =	vmov s30;
	p0 =	sne.s32 s25, $0x5;
	v3 =	vbroadcast v3, $0xF;
	v60, _, _ =	vpop (xrf2)  }
.Ltmp1:
0x64: {  	vm1 =	veq.s32 v58, v1;
	v4 =	vsel vm0, v5, v4;
	v5 =	vbroadcast v60, $0xF;
	(pc) =	sbr.rel @p0 .LBB2_3-.Ltmp1, $4  }
0x65: {  	vm14 =	veq.s32 v61, v1;
	v3 =	vsel vm1, v3, v4;
	v63 =	vbroadcast v59, $0xF  }
0x66: {  	vm15 =	veq.s32 v62, v1;
	v3 =	vsel vm14, v5, v3  }
0x67: {  	s0 =	sand.u32 $0x3FFFFFF0, s31;
	v3 =	vsel vm15, v63, v3  }
0x68: {  	s26 =	sadd.s32 $0x400, s26;
	s29 =	sadd.s32 $0x400, s29;
	[tilespmem:v2+s0+$0x0 ss:$0x1] =	vst.idx.msk $0xffff, v3  }
0x69: {  	s25 =	smul.u32 $0xF0, s24;
	_ =	sdelay $0x1  }
0x6a: {  	s26 =	sadd.s32 $0xA0, s25  }
0x6b: {  	[tilespmem:s17], [sflag:$0x3] =	stream.indirect.gather [hbm4b:s3+s10], $0x40, s26, s10, $0xb8;
	[tilespmem:$0xED30] =	vst v63  }
0x6c: {  	s0 =	sadd.s32 $0x27B0, s25  }
0x6d: {  	[tilespmem:s18], [sflag:$0x3] =	stream.indirect.gather [hbm4b:s3+s10], $0x40, s0, s10, $0xb8;
	[tilespmem:$0xED30] =	vst v63  }
0x6e: {  	_ =	swait.ge [sflag:s19], $0x1400  }
0x6f: {  	[sflag:s19] =	ssyncset.done $0x0  }
0x70: {  	[sflag:s19] =	ssyncadd.s32 $0xFFFFEC00  }
0x71: {  	_ =	swait.ge [sflag:s19], $0x1400  }
0x72: {  	s31 =	sadd.s32 $0xC670, s28;
	s28 =	simm.s32 $0x0;
	[sflag:s19] =	ssyncset.done $0x0  }
0x73: {  	s29 =	simm.s32 $0x6290;
	s30 =	simm.s32 $0x9E90;
	v2 =	vmov s31;
	[sflag:s19] =	ssyncadd.s32 $0xFFFFEC00  }
.LBB2_7:
0x74: {  	v4 =	vld [tilespmem:s29+$0x0]  }
0x75: {  	v5 =	vld [tilespmem:s30+$0x0]  }
0x76: {  	v3 =	vld [tilespmem:s29+$0xFFFFFFF0]  }
0x77: {  	v6 =	vld [tilespmem:s30+$0xFFFFFFF0]  }
0x78: {  	v7 =	vld [tilespmem:s29+$0xFFFFFFE0]  }
0x79: {  	v8 =	vld [tilespmem:s29+$0xFFFFFFD0]  }
0x7a: {  	v9 =	vld [tilespmem:s30+$0xFFFFFFD0]  }
0x7b: {  	v10 =	vld [tilespmem:s30+$0xFFFFFFE0]  }
0x7c: {  	v11 =	vld [tilespmem:s29+$0xFFFFFF90]  }
0x7d: {  	v12 =	vld [tilespmem:s30+$0xFFFFFF90]  }
0x7e: {  	v13 =	vld [tilespmem:s29+$0xFFFFFFA0]  }
0x7f: {  	v14 =	vld [tilespmem:s30+$0xFFFFFFA0]  }
0x80: {  	v15 =	vld [tilespmem:s30+$0xFFFFFFB0];
	v8 =	vmul.bf16 v9, v8  }
0x81: {  	v9 =	vld [tilespmem:s29+$0xFFFFFFB0]  }
0x82: {  	v7 =	vmul.bf16 v10, v7;
	v10 =	vmul.bf16 v12, v11;
	v11 =	vld [tilespmem:s29+$0xFFFFFFC0];
	v8 =	vadd.bf16 v0, v8  }
0x83: {  	v12 =	vld [tilespmem:s30+$0xFFFFFFC0]  }
0x84: {  	s1 =	sadd.s32 $0x80, s29;
	v7 =	vadd.bf16 v7, v8;
	v8 =	vmul.bf16 v6, v3  }
0x85: {  	v13 =	vmul.bf16 v14, v13;
	v4 =	vmul.bf16 v5, v4;
	v5 =	vld [tilespmem:s1+$0xFFFFFFF0];
	v10 =	vadd.bf16 v0, v10  }
0x86: {  	s0 =	sadd.s32 $0x80, s30;
	v6 =	vld [tilespmem:s1+$0x0];
	v8 =	vadd.bf16 v8, v7  }
0x87: {  	v3 =	vld [tilespmem:s0+$0x0];
	v10 =	vadd.bf16 v13, v10;
	v9 =	vmul.bf16 v15, v9  }
0x88: {  	v12 =	vmul.bf16 v12, v11;
	v11 =	vld [tilespmem:s0+$0xFFFFFFD0];
	v4 =	vadd.bf16 v4, v8  }
0x89: {  	v7 =	vld [tilespmem:s0+$0xFFFFFFF0];
	v10 =	vadd.bf16 v9, v10  }
0x8a: {  	v9 =	vld [tilespmem:s1+$0xFFFFFFD0];
	v13 =	vunpack.i.u.bf16.f32 v4;
	v4 =	vunpack.i.l.bf16.f32 v4  }
0x8b: {  	v8 =	vld [tilespmem:s1+$0xFFFFFFE0];
	v14 =	vadd.bf16 v12, v10;
	v13 =	vadd.f32 v4, v13  }
0x8c: {  	v10 =	vld [tilespmem:s0+$0xFFFFFFE0]  }
0x8d: {  	v12 =	vld [tilespmem:s1+$0xFFFFFF90];
	v15 =	vunpack.i.u.bf16.f32 v14;
	v16 =	vunpack.i.l.bf16.f32 v14;
	(xrf2) =	vadd.scan.msk.f32 $0xffff, v13  }
0x8e: {  	s31 =	simm.s32 $0x2;
	s21 =	simm.s32 $0x4;
	s14 =	simm.s32 $0x0;
	v4 =	vimm.f32 $0.0e+00;
	v14 =	vld [tilespmem:s0+$0xFFFFFF90];
	v13 =	vadd.f32 v16, v15  }
.LBB2_8:
0x8f: {  	p0 =	sne.s32 s21, $0xE;
	v15 =	vld [tilespmem:s1+$0xFFFFFFA0]  }
0x90: {  	v16 =	vld [tilespmem:s0+$0xFFFFFFA0];
	v9 =	vmul.bf16 v11, v9;
	(xrf2) =	vadd.scan.msk.f32 $0xffff, v13  }
0x91: {  	v11 =	vld [tilespmem:s1+$0xFFFFFFB0]  }
0x92: {  	v8 =	vmul.bf16 v10, v8;
	v13 =	vld [tilespmem:s0+$0xFFFFFFB0];
	v9 =	vadd.bf16 v0, v9  }
0x93: {  	v10 =	vmul.bf16 v14, v12;
	v12 =	vld [tilespmem:s1+$0xFFFFFFC0]  }
0x94: {  	v5 =	vmul.bf16 v7, v5;
	s1 =	sadd.s32 $0x80, s1;
	v14 =	vld [tilespmem:s0+$0xFFFFFFC0];
	v8 =	vadd.bf16 v8, v9  }
0x95: {  	s0 =	sadd.s32 $0x80, s0;
	v17 =	vld [tilespmem:s1+$0x0];
	v7 =	vadd.bf16 v0, v10;
	v9 =	vmul.bf16 v16, v15  }
0x96: {  	v6 =	vmul.bf16 v3, v6;
	v8 =	vadd.bf16 v5, v8;
	v3 =	vld [tilespmem:s0+$0x0]  }
0x97: {  	v5 =	vld [tilespmem:s1+$0xFFFFFFF0];
	v9 =	vadd.bf16 v9, v7;
	v10 =	vmul.bf16 v13, v11;
	v13, _, _ =	vpop (xrf2)  }
0x98: {  	v7 =	vld [tilespmem:s0+$0xFFFFFFF0];
	v21 =	vadd.bf16 v6, v8  }
0x99: {  	s8 =	sadd.s32 $0x1, s14;
	v8 =	vld [tilespmem:s1+$0xFFFFFFE0];
	v10 =	vadd.bf16 v10, v9;
	v12 =	vmul.bf16 v14, v12;
	v14 =	vmov s14;
	s14 =	smov.u32 s31;
	s31 =	smov.u32 s21  }
.Ltmp2:
0x9a: {  	v16 =	vmov s8;
	v9 =	vld [tilespmem:s1+$0xFFFFFFD0];
	v15 =	vunpack.i.u.bf16.f32 v21;
	v20 =	vunpack.i.l.bf16.f32 v21;
	v18, _, _ =	vpop (xrf2);
	(pc) =	sbr.rel @p0 .LBB2_8-.Ltmp2, $4  }
0x9b: {  	v6 =	vmovc v17;
	v11 =	vld [tilespmem:s0+$0xFFFFFFD0];
	v19 =	vadd.bf16 v12, v10;
	v15 =	vadd.f32 v20, v15;
	v18 =	vbroadcast v18, $0xF  }
0x9c: {  	vm1 =	veq.s32 v16, v1;
	v16 =	vbroadcast v13, $0xF;
	vm0 =	veq.s32 v14, v1;
	v10 =	vld [tilespmem:s0+$0xFFFFFFE0]  }
0x9d: {  	v12 =	vld [tilespmem:s1+$0xFFFFFF90];
	v13 =	vunpack.i.u.bf16.f32 v19;
	v17 =	vunpack.i.l.bf16.f32 v19;
	(xrf2) =	vadd.scan.msk.f32 $0xffff, v15;
	v4 =	vsel vm0, v18, v4  }
0x9e: {  	s21 =	sadd.s32 $0x2, s21;
	v14 =	vld [tilespmem:s0+$0xFFFFFF90];
	v13 =	vadd.f32 v17, v13;
	v4 =	vsel vm1, v16, v4  }
0x9f: {  	v15 =	vld [tilespmem:s1+$0xFFFFFFA0]  }
0xa0: {  	v16 =	vld [tilespmem:s0+$0xFFFFFFA0]  }
0xa1: {  	v17 =	vld [tilespmem:s1+$0xFFFFFFB0]  }
0xa2: {  	v46 =	vld [tilespmem:s0+$0xFFFFFFB0];
	v9 =	vmul.bf16 v11, v9  }
0xa3: {  	v47 =	vld [tilespmem:s1+$0xFFFFFFC0];
	v12 =	vmul.bf16 v14, v12  }
0xa4: {  	v48 =	vld [tilespmem:s0+$0xFFFFFFC0];
	v8 =	vmul.bf16 v10, v8;
	v9 =	vadd.bf16 v0, v9  }
0xa5: {  	v15 =	vmul.bf16 v16, v15;
	v12 =	vadd.bf16 v0, v12  }
0xa6: {  	v5 =	vmul.bf16 v7, v5;
	v8 =	vadd.bf16 v8, v9  }
0xa7: {  	v50 =	vmul.bf16 v46, v17;
	v49 =	vadd.bf16 v15, v12  }
0xa8: {  	v3 =	vmul.bf16 v3, v6;
	v5 =	vadd.bf16 v5, v8  }
0xa9: {  	v52 =	vmul.bf16 v48, v47;
	v51 =	vadd.bf16 v50, v49  }
0xaa: {  	v3 =	vadd.bf16 v3, v5  }
0xab: {  	v53 =	vadd.bf16 v52, v51  }
0xac: {  	v54 =	vunpack.i.u.bf16.f32 v3;
	v3 =	vunpack.i.l.bf16.f32 v3  }
0xad: {  	v3 =	vadd.f32 v3, v54;
	v55 =	vunpack.i.u.bf16.f32 v53;
	v5 =	vunpack.i.l.bf16.f32 v53  }
0xae: {  	(xrf2) =	vadd.scan.msk.f32 $0xffff, v13;
	v5 =	vadd.f32 v5, v55  }
0xaf: {  	(xrf2) =	vadd.scan.msk.f32 $0xffff, v3  }
0xb0: {  	(xrf2) =	vadd.scan.msk.f32 $0xffff, v5;
	_ =	sdelay $0x6  }
0xb1: {  	v3, _, _ =	vpop (xrf2)  }
0xb2: {  	v57 =	vmov s14;
	s14 =	sadd.s32 $0x1, s14;
	v56, _, _ =	vpop (xrf2)  }
0xb3: {  	v61 =	vmov s31;
	s21 =	sadd.s32 $0x1, s31;
	s31 =	sshll.u32 s28, $0x4;
	s28 =	sadd.s32 $0x1, s28;
	v58 =	vmov s14;
	v5 =	vbroadcast v56, $0xF;
	v59, _, _ =	vpop (xrf2)  }
0xb4: {  	vm0 =	veq.s32 v57, v1;
	v62 =	vmov s21;
	p0 =	sne.s32 s28, $0x5;
	v3 =	vbroadcast v3, $0xF;
	v60, _, _ =	vpop (xrf2)  }
.Ltmp3:
0xb5: {  	vm1 =	veq.s32 v58, v1;
	v4 =	vsel vm0, v5, v4;
	v5 =	vbroadcast v60, $0xF;
	(pc) =	sbr.rel @p0 .LBB2_7-.Ltmp3, $4  }
0xb6: {  	vm14 =	veq.s32 v61, v1;
	v3 =	vsel vm1, v3, v4;
	v63 =	vbroadcast v59, $0xF  }
0xb7: {  	vm15 =	veq.s32 v62, v1;
	v3 =	vsel vm14, v5, v3  }
0xb8: {  	s0 =	sand.u32 $0x3FFFFFF0, s31;
	v3 =	vsel vm15, v63, v3  }
0xb9: {  	s29 =	sadd.s32 $0x400, s29;
	s30 =	sadd.s32 $0x400, s30;
	[tilespmem:v2+s0+$0x0 ss:$0x1] =	vst.idx.msk $0xffff, v3  }
0xba: {  	s0 =	sadd.s32 $0xF0, s25  }
0xbb: {  	[tilespmem:s11], [sflag:$0x1] =	stream.indirect.gather [hbm4b:s3+s10], $0x40, s0, s10, $0xb8;
	[tilespmem:$0xED30] =	vst v63  }
0xbc: {  	s30 =	sadd.s32 $0x2800, s25  }
0xbd: {  	[tilespmem:s12], [sflag:$0x1] =	stream.indirect.gather [hbm4b:s3+s10], $0x40, s30, s10, $0xb8;
	[tilespmem:$0xED30] =	vst v63  }
0xbe: {  	_ =	swait.ge [sflag:s20], $0x1400  }
0xbf: {  	[sflag:s20] =	ssyncset.done $0x0  }
0xc0: {  	[sflag:s20] =	ssyncadd.s32 $0xFFFFEC00  }
0xc1: {  	_ =	swait.ge [sflag:s20], $0x1400  }
0xc2: {  	s31 =	sadd.s32 $0xC620, s26;
	s26 =	simm.s32 $0x0;
	[sflag:s20] =	ssyncset.done $0x0  }
0xc3: {  	s28 =	simm.s32 $0x7690;
	s29 =	simm.s32 $0xB290;
	v2 =	vmov s31;
	[sflag:s20] =	ssyncadd.s32 $0xFFFFEC00  }
.LBB2_11:
0xc4: {  	v4 =	vld [tilespmem:s28+$0x0]  }
0xc5: {  	v5 =	vld [tilespmem:s29+$0x0]  }
0xc6: {  	v3 =	vld [tilespmem:s28+$0xFFFFFFF0]  }
0xc7: {  	v6 =	vld [tilespmem:s29+$0xFFFFFFF0]  }
0xc8: {  	v7 =	vld [tilespmem:s28+$0xFFFFFFE0]  }
0xc9: {  	v8 =	vld [tilespmem:s28+$0xFFFFFFD0]  }
0xca: {  	v9 =	vld [tilespmem:s29+$0xFFFFFFD0]  }
0xcb: {  	v10 =	vld [tilespmem:s29+$0xFFFFFFE0]  }
0xcc: {  	v11 =	vld [tilespmem:s28+$0xFFFFFF90]  }
0xcd: {  	v12 =	vld [tilespmem:s29+$0xFFFFFF90]  }
0xce: {  	v13 =	vld [tilespmem:s28+$0xFFFFFFA0]  }
0xcf: {  	v14 =	vld [tilespmem:s29+$0xFFFFFFA0]  }
0xd0: {  	v15 =	vld [tilespmem:s29+$0xFFFFFFB0];
	v8 =	vmul.bf16 v9, v8  }
0xd1: {  	v9 =	vld [tilespmem:s28+$0xFFFFFFB0]  }
0xd2: {  	v7 =	vmul.bf16 v10, v7;
	v10 =	vmul.bf16 v12, v11;
	v11 =	vld [tilespmem:s28+$0xFFFFFFC0];
	v8 =	vadd.bf16 v0, v8  }
0xd3: {  	v12 =	vld [tilespmem:s29+$0xFFFFFFC0]  }
0xd4: {  	s1 =	sadd.s32 $0x80, s28;
	v7 =	vadd.bf16 v7, v8;
	v8 =	vmul.bf16 v6, v3  }
0xd5: {  	v13 =	vmul.bf16 v14, v13;
	v4 =	vmul.bf16 v5, v4;
	v5 =	vld [tilespmem:s1+$0xFFFFFFF0];
	v10 =	vadd.bf16 v0, v10  }
0xd6: {  	s0 =	sadd.s32 $0x80, s29;
	v6 =	vld [tilespmem:s1+$0x0];
	v8 =	vadd.bf16 v8, v7  }
0xd7: {  	v3 =	vld [tilespmem:s0+$0x0];
	v10 =	vadd.bf16 v13, v10;
	v9 =	vmul.bf16 v15, v9  }
0xd8: {  	v12 =	vmul.bf16 v12, v11;
	v11 =	vld [tilespmem:s0+$0xFFFFFFD0];
	v4 =	vadd.bf16 v4, v8  }
0xd9: {  	v7 =	vld [tilespmem:s0+$0xFFFFFFF0];
	v10 =	vadd.bf16 v9, v10  }
0xda: {  	v9 =	vld [tilespmem:s1+$0xFFFFFFD0];
	v13 =	vunpack.i.u.bf16.f32 v4;
	v4 =	vunpack.i.l.bf16.f32 v4  }
0xdb: {  	v8 =	vld [tilespmem:s1+$0xFFFFFFE0];
	v14 =	vadd.bf16 v12, v10;
	v13 =	vadd.f32 v4, v13  }
0xdc: {  	v10 =	vld [tilespmem:s0+$0xFFFFFFE0]  }
0xdd: {  	v12 =	vld [tilespmem:s1+$0xFFFFFF90];
	v15 =	vunpack.i.u.bf16.f32 v14;
	v16 =	vunpack.i.l.bf16.f32 v14;
	(xrf2) =	vadd.scan.msk.f32 $0xffff, v13  }
0xde: {  	s30 =	simm.s32 $0x2;
	s21 =	simm.s32 $0x4;
	s14 =	simm.s32 $0x0;
	v4 =	vimm.f32 $0.0e+00;
	v14 =	vld [tilespmem:s0+$0xFFFFFF90];
	v13 =	vadd.f32 v16, v15  }
.LBB2_12:
0xdf: {  	p0 =	sne.s32 s21, $0xE;
	v15 =	vld [tilespmem:s1+$0xFFFFFFA0]  }
0xe0: {  	v16 =	vld [tilespmem:s0+$0xFFFFFFA0];
	v9 =	vmul.bf16 v11, v9;
	(xrf2) =	vadd.scan.msk.f32 $0xffff, v13  }
0xe1: {  	v11 =	vld [tilespmem:s1+$0xFFFFFFB0]  }
0xe2: {  	v8 =	vmul.bf16 v10, v8;
	v13 =	vld [tilespmem:s0+$0xFFFFFFB0];
	v9 =	vadd.bf16 v0, v9  }
0xe3: {  	v10 =	vmul.bf16 v14, v12;
	v12 =	vld [tilespmem:s1+$0xFFFFFFC0]  }
0xe4: {  	v5 =	vmul.bf16 v7, v5;
	s1 =	sadd.s32 $0x80, s1;
	v14 =	vld [tilespmem:s0+$0xFFFFFFC0];
	v8 =	vadd.bf16 v8, v9  }
0xe5: {  	s0 =	sadd.s32 $0x80, s0;
	v17 =	vld [tilespmem:s1+$0x0];
	v7 =	vadd.bf16 v0, v10;
	v9 =	vmul.bf16 v16, v15  }
0xe6: {  	v6 =	vmul.bf16 v3, v6;
	v8 =	vadd.bf16 v5, v8;
	v3 =	vld [tilespmem:s0+$0x0]  }
0xe7: {  	v5 =	vld [tilespmem:s1+$0xFFFFFFF0];
	v9 =	vadd.bf16 v9, v7;
	v10 =	vmul.bf16 v13, v11;
	v13, _, _ =	vpop (xrf2)  }
0xe8: {  	v7 =	vld [tilespmem:s0+$0xFFFFFFF0];
	v21 =	vadd.bf16 v6, v8  }
0xe9: {  	s8 =	sadd.s32 $0x1, s14;
	v8 =	vld [tilespmem:s1+$0xFFFFFFE0];
	v10 =	vadd.bf16 v10, v9;
	v12 =	vmul.bf16 v14, v12;
	v14 =	vmov s14;
	s14 =	smov.u32 s30;
	s30 =	smov.u32 s21  }
.Ltmp4:
0xea: {  	v16 =	vmov s8;
	v9 =	vld [tilespmem:s1+$0xFFFFFFD0];
	v15 =	vunpack.i.u.bf16.f32 v21;
	v20 =	vunpack.i.l.bf16.f32 v21;
	v18, _, _ =	vpop (xrf2);
	(pc) =	sbr.rel @p0 .LBB2_12-.Ltmp4, $4  }
0xeb: {  	v6 =	vmovc v17;
	v11 =	vld [tilespmem:s0+$0xFFFFFFD0];
	v19 =	vadd.bf16 v12, v10;
	v15 =	vadd.f32 v20, v15;
	v18 =	vbroadcast v18, $0xF  }
0xec: {  	vm1 =	veq.s32 v16, v1;
	v16 =	vbroadcast v13, $0xF;
	vm0 =	veq.s32 v14, v1;
	v10 =	vld [tilespmem:s0+$0xFFFFFFE0]  }
0xed: {  	v12 =	vld [tilespmem:s1+$0xFFFFFF90];
	v13 =	vunpack.i.u.bf16.f32 v19;
	v17 =	vunpack.i.l.bf16.f32 v19;
	(xrf2) =	vadd.scan.msk.f32 $0xffff, v15;
	v4 =	vsel vm0, v18, v4  }
0xee: {  	s21 =	sadd.s32 $0x2, s21;
	v14 =	vld [tilespmem:s0+$0xFFFFFF90];
	v13 =	vadd.f32 v17, v13;
	v4 =	vsel vm1, v16, v4  }
0xef: {  	v15 =	vld [tilespmem:s1+$0xFFFFFFA0]  }
0xf0: {  	v16 =	vld [tilespmem:s0+$0xFFFFFFA0]  }
0xf1: {  	v17 =	vld [tilespmem:s1+$0xFFFFFFB0]  }
0xf2: {  	v46 =	vld [tilespmem:s0+$0xFFFFFFB0];
	v9 =	vmul.bf16 v11, v9  }
0xf3: {  	v47 =	vld [tilespmem:s1+$0xFFFFFFC0];
	v12 =	vmul.bf16 v14, v12  }
0xf4: {  	v48 =	vld [tilespmem:s0+$0xFFFFFFC0];
	v8 =	vmul.bf16 v10, v8;
	v9 =	vadd.bf16 v0, v9  }
0xf5: {  	v15 =	vmul.bf16 v16, v15;
	v12 =	vadd.bf16 v0, v12  }
0xf6: {  	v5 =	vmul.bf16 v7, v5;
	v8 =	vadd.bf16 v8, v9  }
0xf7: {  	v50 =	vmul.bf16 v46, v17;
	v49 =	vadd.bf16 v15, v12  }
0xf8: {  	v3 =	vmul.bf16 v3, v6;
	v5 =	vadd.bf16 v5, v8  }
0xf9: {  	v52 =	vmul.bf16 v48, v47;
	v51 =	vadd.bf16 v50, v49  }
0xfa: {  	v3 =	vadd.bf16 v3, v5  }
0xfb: {  	v53 =	vadd.bf16 v52, v51  }
0xfc: {  	v54 =	vunpack.i.u.bf16.f32 v3;
	v3 =	vunpack.i.l.bf16.f32 v3  }
0xfd: {  	v3 =	vadd.f32 v3, v54;
	v55 =	vunpack.i.u.bf16.f32 v53;
	v5 =	vunpack.i.l.bf16.f32 v53  }
0xfe: {  	(xrf2) =	vadd.scan.msk.f32 $0xffff, v13;
	v5 =	vadd.f32 v5, v55  }
0xff: {  	(xrf2) =	vadd.scan.msk.f32 $0xffff, v3  }
0x100: {  	(xrf2) =	vadd.scan.msk.f32 $0xffff, v5;
	_ =	sdelay $0x6  }
0x101: {  	v3, _, _ =	vpop (xrf2)  }
0x102: {  	v57 =	vmov s14;
	s21 =	sadd.s32 $0x1, s14;
	v56, _, _ =	vpop (xrf2)  }
0x103: {  	v61 =	vmov s30;
	s30 =	sadd.s32 $0x1, s30;
	s31 =	sshll.u32 s26, $0x4;
	s26 =	sadd.s32 $0x1, s26;
	v58 =	vmov s21;
	v5 =	vbroadcast v56, $0xF;
	v59, _, _ =	vpop (xrf2)  }
0x104: {  	vm0 =	veq.s32 v57, v1;
	v62 =	vmov s30;
	p0 =	sne.s32 s26, $0x5;
	v3 =	vbroadcast v3, $0xF;
	v60, _, _ =	vpop (xrf2)  }
.Ltmp5:
0x105: {  	vm1 =	veq.s32 v58, v1;
	v4 =	vsel vm0, v5, v4;
	v5 =	vbroadcast v60, $0xF;
	(pc) =	sbr.rel @p0 .LBB2_11-.Ltmp5, $4  }
0x106: {  	vm14 =	veq.s32 v61, v1;
	v3 =	vsel vm1, v3, v4;
	v63 =	vbroadcast v59, $0xF  }
0x107: {  	vm15 =	veq.s32 v62, v1;
	v3 =	vsel vm14, v5, v3  }
0x108: {  	s0 =	sand.u32 $0x3FFFFFF0, s31;
	v3 =	vsel vm15, v63, v3  }
0x109: {  	s28 =	sadd.s32 $0x400, s28;
	s29 =	sadd.s32 $0x400, s29;
	[tilespmem:v2+s0+$0x0 ss:$0x1] =	vst.idx.msk $0xffff, v3  }
0x10a: {  	s24 =	sadd.s32 $0x1, s24  }
0x10b: {  	p0 =	sne.s32 s24, $0x29  }
.Ltmp6:
0x10c: {  	_ = 	snop;
	(pc) =	sbr.rel @p0 .LBB2_2-.Ltmp6, $4  }
0x10d: {  	s0 =	sadd.s32 $0x140, s25  }
0x10e: {  	[tilespmem:s13], [sflag:$0x2] =	stream.indirect.gather [hbm4b:s3+s10], $0x40, s0, s10, $0xb8;
	[tilespmem:$0xED30] =	vst v63  }
0x10f: {  	s31 =	sadd.s32 $0x2850, s25  }
0x110: {  	[tilespmem:s15], [sflag:$0x2] =	stream.indirect.gather [hbm4b:s3+s10], $0x40, s31, s10, $0xb8;
	[tilespmem:$0xED30] =	vst v63  }
0x111: {  	_ =	swait.ge [sflag:s16], $0x1400  }
0x112: {  	[sflag:s16] =	ssyncset.done $0x0  }
0x113: {  	[sflag:s16] =	ssyncadd.s32 $0xFFFFEC00  }
0x114: {  	_ =	swait.ge [sflag:s16], $0x1400  }
0x115: {  	s24 =	simm.s32 $0x0;
	[sflag:s16] =	ssyncset.done $0x0  }
0x116: {  	s25 =	simm.s32 $0x8A60;
	s26 =	simm.s32 $0x4E60;
	[sflag:s16] =	ssyncadd.s32 $0xFFFFEC00  }
.LBB2_16:
0x117: {  	v3 =	vld [tilespmem:s26+$0x30]  }
0x118: {  	v4 =	vld [tilespmem:s25+$0x30]  }
0x119: {  	v2 =	vld [tilespmem:s26+$0x20]  }
0x11a: {  	v5 =	vld [tilespmem:s25+$0x20]  }
0x11b: {  	v6 =	vld [tilespmem:s26+$0x10]  }
0x11c: {  	v7 =	vld [tilespmem:s26+$0x0]  }
0x11d: {  	v8 =	vld [tilespmem:s25+$0x0]  }
0x11e: {  	v9 =	vld [tilespmem:s25+$0x10]  }
0x11f: {  	v10 =	vld [tilespmem:s26+$0xFFFFFFC0]  }
0x120: {  	v11 =	vld [tilespmem:s25+$0xFFFFFFC0]  }
0x121: {  	v12 =	vld [tilespmem:s26+$0xFFFFFFD0]  }
0x122: {  	v13 =	vld [tilespmem:s25+$0xFFFFFFD0]  }
0x123: {  	v14 =	vld [tilespmem:s25+$0xFFFFFFE0];
	v7 =	vmul.bf16 v8, v7  }
0x124: {  	v8 =	vld [tilespmem:s26+$0xFFFFFFE0]  }
0x125: {  	v6 =	vmul.bf16 v9, v6;
	v9 =	vmul.bf16 v11, v10;
	v10 =	vld [tilespmem:s26+$0xFFFFFFF0];
	v7 =	vadd.bf16 v0, v7  }
0x126: {  	v11 =	vld [tilespmem:s25+$0xFFFFFFF0]  }
0x127: {  	s1 =	sadd.s32 $0x80, s26;
	v6 =	vadd.bf16 v6, v7;
	v7 =	vmul.bf16 v5, v2  }
0x128: {  	v12 =	vmul.bf16 v13, v12;
	v3 =	vmul.bf16 v4, v3;
	v4 =	vld [tilespmem:s1+$0x20];
	v9 =	vadd.bf16 v0, v9  }
0x129: {  	s0 =	sadd.s32 $0x80, s25;
	v5 =	vld [tilespmem:s1+$0x30];
	v7 =	vadd.bf16 v7, v6  }
0x12a: {  	v2 =	vld [tilespmem:s0+$0x30];
	v9 =	vadd.bf16 v12, v9;
	v8 =	vmul.bf16 v14, v8  }
0x12b: {  	v11 =	vmul.bf16 v11, v10;
	v10 =	vld [tilespmem:s0+$0x0];
	v3 =	vadd.bf16 v3, v7  }
0x12c: {  	v6 =	vld [tilespmem:s0+$0x20];
	v9 =	vadd.bf16 v8, v9  }
0x12d: {  	v8 =	vld [tilespmem:s1+$0x0];
	v12 =	vunpack.i.u.bf16.f32 v3;
	v3 =	vunpack.i.l.bf16.f32 v3  }
0x12e: {  	v7 =	vld [tilespmem:s1+$0x10];
	v13 =	vadd.bf16 v11, v9;
	v12 =	vadd.f32 v3, v12  }
0x12f: {  	v9 =	vld [tilespmem:s0+$0x10]  }
0x130: {  	v11 =	vld [tilespmem:s1+$0xFFFFFFC0];
	v14 =	vunpack.i.u.bf16.f32 v13;
	v15 =	vunpack.i.l.bf16.f32 v13;
	(xrf2) =	vadd.scan.msk.f32 $0xffff, v12  }
0x131: {  	s28 =	simm.s32 $0x2;
	s21 =	simm.s32 $0x4;
	s14 =	simm.s32 $0x0;
	v3 =	vimm.f32 $0.0e+00;
	v13 =	vld [tilespmem:s0+$0xFFFFFFC0];
	v12 =	vadd.f32 v15, v14  }
.LBB2_17:
0x132: {  	p0 =	sne.s32 s21, $0xE;
	v14 =	vld [tilespmem:s1+$0xFFFFFFD0]  }
0x133: {  	v15 =	vld [tilespmem:s0+$0xFFFFFFD0];
	v8 =	vmul.bf16 v10, v8;
	(xrf2) =	vadd.scan.msk.f32 $0xffff, v12  }
0x134: {  	v10 =	vld [tilespmem:s1+$0xFFFFFFE0]  }
0x135: {  	v7 =	vmul.bf16 v9, v7;
	v12 =	vld [tilespmem:s0+$0xFFFFFFE0];
	v8 =	vadd.bf16 v0, v8  }
0x136: {  	v9 =	vmul.bf16 v13, v11;
	v11 =	vld [tilespmem:s1+$0xFFFFFFF0]  }
0x137: {  	v4 =	vmul.bf16 v6, v4;
	s1 =	sadd.s32 $0x80, s1;
	v13 =	vld [tilespmem:s0+$0xFFFFFFF0];
	v7 =	vadd.bf16 v7, v8  }
0x138: {  	s0 =	sadd.s32 $0x80, s0;
	v16 =	vld [tilespmem:s1+$0x30];
	v6 =	vadd.bf16 v0, v9;
	v8 =	vmul.bf16 v15, v14  }
0x139: {  	v5 =	vmul.bf16 v2, v5;
	v7 =	vadd.bf16 v4, v7;
	v2 =	vld [tilespmem:s0+$0x30]  }
0x13a: {  	v4 =	vld [tilespmem:s1+$0x20];
	v8 =	vadd.bf16 v8, v6;
	v9 =	vmul.bf16 v12, v10;
	v12, _, _ =	vpop (xrf2)  }
0x13b: {  	v6 =	vld [tilespmem:s0+$0x20];
	v20 =	vadd.bf16 v5, v7  }
0x13c: {  	s8 =	sadd.s32 $0x1, s14;
	v7 =	vld [tilespmem:s1+$0x10];
	v9 =	vadd.bf16 v9, v8;
	v11 =	vmul.bf16 v13, v11;
	v13 =	vmov s14;
	s14 =	smov.u32 s28;
	s28 =	smov.u32 s21  }
.Ltmp7:
0x13d: {  	v15 =	vmov s8;
	v8 =	vld [tilespmem:s1+$0x0];
	v14 =	vunpack.i.u.bf16.f32 v20;
	v19 =	vunpack.i.l.bf16.f32 v20;
	v17, _, _ =	vpop (xrf2);
	(pc) =	sbr.rel @p0 .LBB2_17-.Ltmp7, $4  }
0x13e: {  	v5 =	vmovc v16;
	v10 =	vld [tilespmem:s0+$0x0];
	v18 =	vadd.bf16 v11, v9;
	v14 =	vadd.f32 v19, v14;
	v17 =	vbroadcast v17, $0xF  }
0x13f: {  	vm1 =	veq.s32 v15, v1;
	v15 =	vbroadcast v12, $0xF;
	vm0 =	veq.s32 v13, v1;
	v9 =	vld [tilespmem:s0+$0x10]  }
0x140: {  	v11 =	vld [tilespmem:s1+$0xFFFFFFC0];
	v12 =	vunpack.i.u.bf16.f32 v18;
	v16 =	vunpack.i.l.bf16.f32 v18;
	(xrf2) =	vadd.scan.msk.f32 $0xffff, v14;
	v3 =	vsel vm0, v17, v3  }
0x141: {  	s21 =	sadd.s32 $0x2, s21;
	v13 =	vld [tilespmem:s0+$0xFFFFFFC0];
	v12 =	vadd.f32 v16, v12;
	v3 =	vsel vm1, v15, v3  }
0x142: {  	v14 =	vld [tilespmem:s1+$0xFFFFFFD0]  }
0x143: {  	v15 =	vld [tilespmem:s0+$0xFFFFFFD0]  }
0x144: {  	v16 =	vld [tilespmem:s1+$0xFFFFFFE0]  }
0x145: {  	v48 =	vld [tilespmem:s0+$0xFFFFFFE0];
	v8 =	vmul.bf16 v10, v8  }
0x146: {  	v49 =	vld [tilespmem:s1+$0xFFFFFFF0];
	v11 =	vmul.bf16 v13, v11  }
0x147: {  	v50 =	vld [tilespmem:s0+$0xFFFFFFF0];
	v7 =	vmul.bf16 v9, v7;
	v8 =	vadd.bf16 v0, v8  }
0x148: {  	v14 =	vmul.bf16 v15, v14;
	v11 =	vadd.bf16 v0, v11  }
0x149: {  	v4 =	vmul.bf16 v6, v4;
	v7 =	vadd.bf16 v7, v8  }
0x14a: {  	v52 =	vmul.bf16 v48, v16;
	v51 =	vadd.bf16 v14, v11  }
0x14b: {  	v2 =	vmul.bf16 v2, v5;
	v4 =	vadd.bf16 v4, v7  }
0x14c: {  	v54 =	vmul.bf16 v50, v49;
	v53 =	vadd.bf16 v52, v51  }
0x14d: {  	v2 =	vadd.bf16 v2, v4  }
0x14e: {  	v55 =	vadd.bf16 v54, v53  }
0x14f: {  	v56 =	vunpack.i.u.bf16.f32 v2;
	v2 =	vunpack.i.l.bf16.f32 v2  }
0x150: {  	(xrf2) =	vadd.scan.msk.f32 $0xffff, v12;
	v2 =	vadd.f32 v2, v56;
	v57 =	vunpack.i.u.bf16.f32 v55;
	v4 =	vunpack.i.l.bf16.f32 v55  }
0x151: {  	v4 =	vadd.f32 v4, v57  }
0x152: {  	(xrf2) =	vadd.scan.msk.f32 $0xffff, v2  }
0x153: {  	(xrf2) =	vadd.scan.msk.f32 $0xffff, v4;
	_ =	sdelay $0x5  }
0x154: {  	v2, _, _ =	vpop (xrf2)  }
0x155: {  	v58, _, _ =	vpop (xrf2)  }
0x156: {  	v59 =	vmov s14;
	s29 =	sadd.s32 $0x1, s14;
	v4 =	vbroadcast v58, $0xF  }
0x157: {  	s31 =	sshll.u32 s24, $0x4;
	s24 =	sadd.s32 $0x1, s24;
	v60 =	vmov s29;
	vm0 =	veq.s32 v59, v1;
	v2 =	vbroadcast v2, $0xF;
	v61, _, _ =	vpop (xrf2)  }
0x158: {  	p0 =	sne.s32 s24, $0x5;
	vm1 =	veq.s32 v60, v1;
	v3 =	vsel vm0, v4, v3;
	v62, _, _ =	vpop (xrf2)  }
.Ltmp8:
0x159: {  	s30 =	sadd.s32 $0x1, s28;
	v2 =	vsel vm1, v2, v3;
	v3 =	vmov s28;
	v4 =	vbroadcast v62, $0xF;
	(pc) =	sbr.rel @p0 .LBB2_16-.Ltmp8, $4  }
0x15a: {  	v63 =	vmov s30;
	vm14 =	veq.s32 v3, v1;
	v3 =	vbroadcast v61, $0xF  }
0x15b: {  	vm15 =	veq.s32 v63, v1;
	v2 =	vsel vm14, v4, v2  }
0x15c: {  	s0 =	sand.u32 $0x3FFFFFF0, s31;
	v2 =	vsel vm15, v3, v2  }
0x15d: {  	s25 =	sadd.s32 $0x400, s25;
	s26 =	sadd.s32 $0x400, s26;
	[tilespmem:s0+$0xEC90] =	vst v2  }
0x15e: {  	_ =	swait.ge [sflag:s19], $0x1400  }
0x15f: {  	[sflag:s19] =	ssyncset.done $0x0  }
0x160: {  	[sflag:s19] =	ssyncadd.s32 $0xFFFFEC00  }
0x161: {  	_ =	swait.ge [sflag:s19], $0x1400  }
0x162: {  	s24 =	simm.s32 $0x0;
	[sflag:s19] =	ssyncset.done $0x0  }
0x163: {  	s25 =	simm.s32 $0x6290;
	s26 =	simm.s32 $0x9E90;
	[sflag:s19] =	ssyncadd.s32 $0xFFFFEC00  }
.LBB2_20:
0x164: {  	v3 =	vld [tilespmem:s25+$0x0]  }
0x165: {  	v4 =	vld [tilespmem:s26+$0x0]  }
0x166: {  	v2 =	vld [tilespmem:s25+$0xFFFFFFF0]  }
0x167: {  	v5 =	vld [tilespmem:s26+$0xFFFFFFF0]  }
0x168: {  	v6 =	vld [tilespmem:s25+$0xFFFFFFE0]  }
0x169: {  	v7 =	vld [tilespmem:s25+$0xFFFFFFD0]  }
0x16a: {  	v8 =	vld [tilespmem:s26+$0xFFFFFFD0]  }
0x16b: {  	v9 =	vld [tilespmem:s26+$0xFFFFFFE0]  }
0x16c: {  	v10 =	vld [tilespmem:s25+$0xFFFFFF90]  }
0x16d: {  	v11 =	vld [tilespmem:s26+$0xFFFFFF90]  }
0x16e: {  	v12 =	vld [tilespmem:s25+$0xFFFFFFA0]  }
0x16f: {  	v13 =	vld [tilespmem:s26+$0xFFFFFFA0]  }
0x170: {  	v14 =	vld [tilespmem:s26+$0xFFFFFFB0];
	v7 =	vmul.bf16 v8, v7  }
0x171: {  	v8 =	vld [tilespmem:s25+$0xFFFFFFB0]  }
0x172: {  	v6 =	vmul.bf16 v9, v6;
	v9 =	vmul.bf16 v11, v10;
	v10 =	vld [tilespmem:s25+$0xFFFFFFC0];
	v7 =	vadd.bf16 v0, v7  }
0x173: {  	v11 =	vld [tilespmem:s26+$0xFFFFFFC0]  }
0x174: {  	s1 =	sadd.s32 $0x80, s25;
	v6 =	vadd.bf16 v6, v7;
	v7 =	vmul.bf16 v5, v2  }
0x175: {  	v12 =	vmul.bf16 v13, v12;
	v3 =	vmul.bf16 v4, v3;
	v4 =	vld [tilespmem:s1+$0xFFFFFFF0];
	v9 =	vadd.bf16 v0, v9  }
0x176: {  	s0 =	sadd.s32 $0x80, s26;
	v5 =	vld [tilespmem:s1+$0x0];
	v7 =	vadd.bf16 v7, v6  }
0x177: {  	v2 =	vld [tilespmem:s0+$0x0];
	v9 =	vadd.bf16 v12, v9;
	v8 =	vmul.bf16 v14, v8  }
0x178: {  	v11 =	vmul.bf16 v11, v10;
	v10 =	vld [tilespmem:s0+$0xFFFFFFD0];
	v3 =	vadd.bf16 v3, v7  }
0x179: {  	v6 =	vld [tilespmem:s0+$0xFFFFFFF0];
	v9 =	vadd.bf16 v8, v9  }
0x17a: {  	v8 =	vld [tilespmem:s1+$0xFFFFFFD0];
	v12 =	vunpack.i.u.bf16.f32 v3;
	v3 =	vunpack.i.l.bf16.f32 v3  }
0x17b: {  	v7 =	vld [tilespmem:s1+$0xFFFFFFE0];
	v13 =	vadd.bf16 v11, v9;
	v12 =	vadd.f32 v3, v12  }
0x17c: {  	v9 =	vld [tilespmem:s0+$0xFFFFFFE0]  }
0x17d: {  	v11 =	vld [tilespmem:s1+$0xFFFFFF90];
	v14 =	vunpack.i.u.bf16.f32 v13;
	v15 =	vunpack.i.l.bf16.f32 v13;
	(xrf2) =	vadd.scan.msk.f32 $0xffff, v12  }
0x17e: {  	s28 =	simm.s32 $0x2;
	s21 =	simm.s32 $0x4;
	s14 =	simm.s32 $0x0;
	v3 =	vimm.f32 $0.0e+00;
	v13 =	vld [tilespmem:s0+$0xFFFFFF90];
	v12 =	vadd.f32 v15, v14  }
.LBB2_21:
0x17f: {  	p0 =	sne.s32 s21, $0xE;
	v14 =	vld [tilespmem:s1+$0xFFFFFFA0]  }
0x180: {  	v15 =	vld [tilespmem:s0+$0xFFFFFFA0];
	v8 =	vmul.bf16 v10, v8;
	(xrf2) =	vadd.scan.msk.f32 $0xffff, v12  }
0x181: {  	v10 =	vld [tilespmem:s1+$0xFFFFFFB0]  }
0x182: {  	v7 =	vmul.bf16 v9, v7;
	v12 =	vld [tilespmem:s0+$0xFFFFFFB0];
	v8 =	vadd.bf16 v0, v8  }
0x183: {  	v9 =	vmul.bf16 v13, v11;
	v11 =	vld [tilespmem:s1+$0xFFFFFFC0]  }
0x184: {  	v4 =	vmul.bf16 v6, v4;
	s1 =	sadd.s32 $0x80, s1;
	v13 =	vld [tilespmem:s0+$0xFFFFFFC0];
	v7 =	vadd.bf16 v7, v8  }
0x185: {  	s0 =	sadd.s32 $0x80, s0;
	v16 =	vld [tilespmem:s1+$0x0];
	v6 =	vadd.bf16 v0, v9;
	v8 =	vmul.bf16 v15, v14  }
0x186: {  	v5 =	vmul.bf16 v2, v5;
	v7 =	vadd.bf16 v4, v7;
	v2 =	vld [tilespmem:s0+$0x0]  }
0x187: {  	v4 =	vld [tilespmem:s1+$0xFFFFFFF0];
	v8 =	vadd.bf16 v8, v6;
	v9 =	vmul.bf16 v12, v10;
	v12, _, _ =	vpop (xrf2)  }
0x188: {  	v6 =	vld [tilespmem:s0+$0xFFFFFFF0];
	v20 =	vadd.bf16 v5, v7  }
0x189: {  	s8 =	sadd.s32 $0x1, s14;
	v7 =	vld [tilespmem:s1+$0xFFFFFFE0];
	v9 =	vadd.bf16 v9, v8;
	v11 =	vmul.bf16 v13, v11;
	v13 =	vmov s14;
	s14 =	smov.u32 s28;
	s28 =	smov.u32 s21  }
.Ltmp9:
0x18a: {  	v15 =	vmov s8;
	v8 =	vld [tilespmem:s1+$0xFFFFFFD0];
	v14 =	vunpack.i.u.bf16.f32 v20;
	v19 =	vunpack.i.l.bf16.f32 v20;
	v17, _, _ =	vpop (xrf2);
	(pc) =	sbr.rel @p0 .LBB2_21-.Ltmp9, $4  }
0x18b: {  	v5 =	vmovc v16;
	v10 =	vld [tilespmem:s0+$0xFFFFFFD0];
	v18 =	vadd.bf16 v11, v9;
	v14 =	vadd.f32 v19, v14;
	v17 =	vbroadcast v17, $0xF  }
0x18c: {  	vm1 =	veq.s32 v15, v1;
	v15 =	vbroadcast v12, $0xF;
	vm0 =	veq.s32 v13, v1;
	v9 =	vld [tilespmem:s0+$0xFFFFFFE0]  }
0x18d: {  	v11 =	vld [tilespmem:s1+$0xFFFFFF90];
	v12 =	vunpack.i.u.bf16.f32 v18;
	v16 =	vunpack.i.l.bf16.f32 v18;
	(xrf2) =	vadd.scan.msk.f32 $0xffff, v14;
	v3 =	vsel vm0, v17, v3  }
0x18e: {  	s21 =	sadd.s32 $0x2, s21;
	v13 =	vld [tilespmem:s0+$0xFFFFFF90];
	v12 =	vadd.f32 v16, v12;
	v3 =	vsel vm1, v15, v3  }
0x18f: {  	v14 =	vld [tilespmem:s1+$0xFFFFFFA0]  }
0x190: {  	v15 =	vld [tilespmem:s0+$0xFFFFFFA0]  }
0x191: {  	v16 =	vld [tilespmem:s1+$0xFFFFFFB0]  }
0x192: {  	v48 =	vld [tilespmem:s0+$0xFFFFFFB0];
	v8 =	vmul.bf16 v10, v8  }
0x193: {  	v49 =	vld [tilespmem:s1+$0xFFFFFFC0];
	v11 =	vmul.bf16 v13, v11  }
0x194: {  	v50 =	vld [tilespmem:s0+$0xFFFFFFC0];
	v7 =	vmul.bf16 v9, v7;
	v8 =	vadd.bf16 v0, v8  }
0x195: {  	v14 =	vmul.bf16 v15, v14;
	v11 =	vadd.bf16 v0, v11  }
0x196: {  	v4 =	vmul.bf16 v6, v4;
	v7 =	vadd.bf16 v7, v8  }
0x197: {  	v52 =	vmul.bf16 v48, v16;
	v51 =	vadd.bf16 v14, v11  }
0x198: {  	v2 =	vmul.bf16 v2, v5;
	v4 =	vadd.bf16 v4, v7  }
0x199: {  	v54 =	vmul.bf16 v50, v49;
	v53 =	vadd.bf16 v52, v51  }
0x19a: {  	v2 =	vadd.bf16 v2, v4  }
0x19b: {  	v55 =	vadd.bf16 v54, v53  }
0x19c: {  	v56 =	vunpack.i.u.bf16.f32 v2;
	v2 =	vunpack.i.l.bf16.f32 v2  }
0x19d: {  	(xrf2) =	vadd.scan.msk.f32 $0xffff, v12;
	v2 =	vadd.f32 v2, v56;
	v57 =	vunpack.i.u.bf16.f32 v55;
	v4 =	vunpack.i.l.bf16.f32 v55  }
0x19e: {  	v4 =	vadd.f32 v4, v57  }
0x19f: {  	(xrf2) =	vadd.scan.msk.f32 $0xffff, v2  }
0x1a0: {  	(xrf2) =	vadd.scan.msk.f32 $0xffff, v4;
	_ =	sdelay $0x5  }
0x1a1: {  	v2, _, _ =	vpop (xrf2)  }
0x1a2: {  	v58, _, _ =	vpop (xrf2)  }
0x1a3: {  	v59 =	vmov s14;
	s29 =	sadd.s32 $0x1, s14;
	v4 =	vbroadcast v58, $0xF  }
0x1a4: {  	s31 =	sshll.u32 s24, $0x4;
	s24 =	sadd.s32 $0x1, s24;
	v60 =	vmov s29;
	vm0 =	veq.s32 v59, v1;
	v2 =	vbroadcast v2, $0xF;
	v61, _, _ =	vpop (xrf2)  }
0x1a5: {  	p0 =	sne.s32 s24, $0x5;
	vm1 =	veq.s32 v60, v1;
	v3 =	vsel vm0, v4, v3;
	v62, _, _ =	vpop (xrf2)  }
.Ltmp10:
0x1a6: {  	s30 =	sadd.s32 $0x1, s28;
	v2 =	vsel vm1, v2, v3;
	v3 =	vmov s28;
	v4 =	vbroadcast v62, $0xF;
	(pc) =	sbr.rel @p0 .LBB2_20-.Ltmp10, $4  }
0x1a7: {  	v63 =	vmov s30;
	vm14 =	veq.s32 v3, v1;
	v3 =	vbroadcast v61, $0xF  }
0x1a8: {  	vm15 =	veq.s32 v63, v1;
	v2 =	vsel vm14, v4, v2  }
0x1a9: {  	s0 =	sand.u32 $0x3FFFFFF0, s31;
	v2 =	vsel vm15, v3, v2  }
0x1aa: {  	s25 =	sadd.s32 $0x400, s25;
	s26 =	sadd.s32 $0x400, s26;
	[tilespmem:s0+$0xECE0] =	vst v2  }
0x1ab: {  	s23 =	sadd.s32 $0x1, s23  }
0x1ac: {  	p0 =	sne.s32 s23, s7  }
.Ltmp11:
0x1ad: {  	s0 =	simm.s32 $0xC620;
	(pc) =	sbr.rel @p0 .LBB2_1-.Ltmp11, $4  }
0x1ae: {  	[hbm4b:s6+s2] =	stream.linear.scatter [tilespmem:s0], [sflag:$0x5], $0x2710, $0x38;
	[tilespmem:$0xED30] =	vst v63  }
0x1af: {  	_ =	swait.ge [sflag:s22], $0x2710  }
0x1b0: {  	[sflag:s22] =	ssyncset.done $0x0  }
0x1b1: {  	[sflag:s22] =	ssyncadd.s32 $0xFFFFD8F0  }
0x1b2: {  	_ =	sfence.sel $0x180000  }
0x1b3: {  	[bflag:$0x0] =	sbarrier.arrive $0xFFFF  }
0x1b4: {  	_ =	strace $0x90000047  }
0x1b5: {  	s0 =	stileid.u32;
	[bflag:$0x2] =	sbarrier.arrive $0xFFFF  }
0x1b6: {  	p0 =	sne.s32 s0, $0x0;
	s0 =	rddreg [dreg:$0x2]  }
0x1b7: {  	s0 =	sadd.s32 @!p0 $0x100000, s0  }
0x1b8: {  	[sflag:s0] =	ssyncadd.tile.s32 @!p0 $0x1;
	_ =	shalt  }
.Lfunc_end2:
_tile_overlayer_lowered:
.L_overlay_start_2:
0x1b9: {  	(tag) =	ssettag $0x2  }
0x1ba: {  	s0 =	rddreg [dreg:$0x0];
	s2 =	stileid.u32  }
0x1bb: {  	s1 =	rddreg [dreg:$0x1];
	p0 =	sne.s32 s2, $0x0  }
0x1bc: {  	s3 =	rddreg [dreg:$0x2];
	[bflag:$0x3] =	sbarrier.arrive $0xFFFF;
	s2 =	simm.s32 @!p0 $0x1C05  }
0x1bd: {  	[timem:s3], [sflag:s2] =	dma.local @!p0 [hbm:s0], s1  }
0x1be: {  	s0 =	simm.s32 @!p0 $0x5  }
0x1bf: {  	_ =	swait.ge @!p0 [sflag:s0], s1  }
0x1c0: {  	s1 =	ssub.s32 @!p0 $0x0, s1;
	[sflag:s0] =	ssyncset.done @!p0 $0x0  }
0x1c1: {  	[sflag:s0] =	ssyncadd.s32 @!p0 s1  }
0x1c2: {  	[bflag:$0x3] =	sbarrier.arrive $0xFFFF  }
0x1c3: {  	_ =	shalt  }

</sc_bundles>
